<compile_context>
chip_gen: v7x
topology: tpu7x:2x2x1
jax: 0.10.2.dev20260603
libtpu: 0.0.44.dev20260713+nightly
codegen_flags: <defaults>
</compile_context>

<pallas_src>
import jax
import jax.numpy as jnp
from jax import lax
from jax.experimental import pallas as pl
from jax.experimental.pallas import tpu as pltpu
from jax.experimental.pallas import tpu_sc as plsc

D = 768
H = 12
DH = 64
E = 8
S = 2048
SBLK = 256
NEG = -1e30
QSCALE = 0.125 * 1.4426950408889634
NW = 32
CHUNK = S // NW


def _routing_body(lg_hbm, gates_hbm, lg_v, gt_v):
    wid = lax.axis_index("s") * 2 + lax.axis_index("c")
    base = wid * CHUNK
    for e in range(E):
        pltpu.sync_copy(lg_hbm.at[e, pl.ds(base, CHUNK)],
                        lg_v.at[pl.ds(e * CHUNK, CHUNK)])
    negv = jnp.full((16,), NEG, jnp.float32)
    zerov = jnp.full((16,), 0.0, jnp.float32)
    onev = jnp.full((16,), 1.0, jnp.float32)
    ev = [jnp.full((16,), e, jnp.int32) for e in range(E)]
    for c in range(CHUNK // 16):
        ls = [lg_v[pl.ds(e * CHUNK + c * 16, 16)] for e in range(E)]
        m1 = ls[0]
        for e in range(1, E):
            m1 = jnp.maximum(m1, ls[e])
        i1 = ev[0]
        for e in range(E - 1, -1, -1):
            i1 = jnp.where(ls[e] == m1, ev[e], i1)
        m2 = negv
        for e in range(E):
            m2 = jnp.maximum(m2, jnp.where(i1 == ev[e], negv, ls[e]))
        i2 = ev[0]
        for e in range(E - 1, -1, -1):
            le = jnp.where(i1 == ev[e], negv, ls[e])
            i2 = jnp.where(le == m2, ev[e], i2)
        eb = jnp.exp(m2 - m1)
        g1 = onev / (onev + eb)
        g2 = onev - g1
        for e in range(E):
            ge = (jnp.where(i1 == ev[e], g1, zerov)
                  + jnp.where(i2 == ev[e], g2, zerov))
            gt_v[pl.ds(e * CHUNK + c * 16, 16)] = ge
    for e in range(E):
        pltpu.sync_copy(gt_v.at[pl.ds(e * CHUNK, CHUNK)],
                        gates_hbm.at[e, pl.ds(base, CHUNK)])


def _sc_routing(logits_flat):
    mesh = plsc.VectorSubcoreMesh(core_axis_name="c", subcore_axis_name="s")
    fn = pl.kernel(
        _routing_body, mesh=mesh,
        out_type=jax.ShapeDtypeStruct((E, S), jnp.float32),
        scratch_types=[pltpu.VMEM((CHUNK * E,), jnp.float32),
                       pltpu.VMEM((CHUNK * E,), jnp.float32)],
    )
    return fn(logits_flat)


def _ln_qkv_body(x_ref, wq_ref, bq_ref, wk_ref, bk_ref, wv_ref, bv_ref,
                 rw_ref, rb_ref, g_ref, b_ref,
                 q_ref, k_ref, v_ref, lg_ref):
    xv = x_ref[...]
    mu = jnp.mean(xv, axis=1, keepdims=True)
    xc = xv - mu
    var = jnp.mean(xc * xc, axis=1, keepdims=True)
    xn = xc * jax.lax.rsqrt(var + 1e-5) * g_ref[...] + b_ref[...]
    xb = xn.astype(jnp.bfloat16)
    q = jnp.dot(xb, wq_ref[...].astype(jnp.bfloat16),
                preferred_element_type=jnp.float32) + bq_ref[...]
    q_ref[...] = (q * QSCALE).astype(jnp.bfloat16)
    k_ref[...] = (jnp.dot(xb, wk_ref[...].astype(jnp.bfloat16),
                          preferred_element_type=jnp.float32)
                  + bk_ref[...]).astype(jnp.bfloat16)
    v_ref[...] = (jnp.dot(xb, wv_ref[...].astype(jnp.bfloat16),
                          preferred_element_type=jnp.float32)
                  + bv_ref[...]).astype(jnp.bfloat16)
    lg_ref[...] = jax.lax.dot_general(
        rw_ref[...], xn, (((0,), (1,)), ((), ())),
        preferred_element_type=jnp.float32) + rb_ref[...]


def _attn_body(q_ref, k_ref, v_ref, ctx_ref):
    qq = q_ref[...]
    kk = k_ref[...]
    vv = v_ref[...]
    ones = jnp.ones((S, DH), jnp.bfloat16)
    outs = []
    for h in range(2):
        q = qq[:, h * DH:(h + 1) * DH]
        k = kk[:, h * DH:(h + 1) * DH]
        v = vv[:, h * DH:(h + 1) * DH]
        s = jax.lax.dot_general(q, k, (((1,), (1,)), ((), ())),
                                preferred_element_type=jnp.float32)
        p = jnp.exp2(s.astype(jnp.bfloat16))
        c = jnp.dot(p, jnp.concatenate([v, ones], axis=1),
                    preferred_element_type=jnp.float32)
        outs.append((c[:, :DH] / c[:, DH:DH + 1]).astype(jnp.bfloat16))
    ctx_ref[...] = jnp.concatenate(outs, axis=1)


def _moe_body(ctx_ref, g_ref, x_ref, we_ref, be_ref, out_ref):
    gates = jax.lax.dot_general(g_ref[...], jnp.eye(E, dtype=jnp.float32),
                                (((0,), (0,)), ((), ())),
                                preferred_element_type=jnp.float32)
    ctx = ctx_ref[...]
    acc = x_ref[...]
    for e in range(E):
        ge = gates[:, e:e + 1]
        acc = acc + ge * (jnp.dot(ctx, we_ref[e].astype(jnp.bfloat16),
                                  preferred_element_type=jnp.float32)
                          + be_ref[e:e + 1, :])
    out_ref[...] = acc


def kernel(x, W_q, b_q, W_k, b_k, W_v, b_v, router_w, router_b,
           expert_w, expert_b, ln_gamma, ln_beta):
    xf = x.reshape(S, D)
    full = lambda *shape: pl.BlockSpec(shape, lambda i: (0,) * len(shape))
    row_blk = pl.BlockSpec((SBLK, D), lambda i: (i, 0))

    q, k, v, logits = pl.pallas_call(
        _ln_qkv_body,
        grid=(S // SBLK,),
        in_specs=[row_blk, full(D, D), full(1, D), full(D, D), full(1, D),
                  full(D, D), full(1, D), full(D, E), full(E, 1),
                  full(1, D), full(1, D)],
        out_specs=[row_blk, row_blk, row_blk,
                   pl.BlockSpec((E, SBLK), lambda i: (0, i))],
        out_shape=[jax.ShapeDtypeStruct((S, D), jnp.bfloat16)] * 3
        + [jax.ShapeDtypeStruct((E, S), jnp.float32)],
    )(xf, W_q, b_q.reshape(1, D), W_k, b_k.reshape(1, D),
      W_v, b_v.reshape(1, D), router_w, router_b.reshape(E, 1),
      ln_gamma.reshape(1, D), ln_beta.reshape(1, D))

    head_blk = pl.BlockSpec((S, 2 * DH), lambda g: (0, g))
    ctx = pl.pallas_call(
        _attn_body,
        grid=(H // 2,),
        in_specs=[head_blk, head_blk, head_blk],
        out_specs=head_blk,
        out_shape=jax.ShapeDtypeStruct((S, D), jnp.bfloat16),
    )(q, k, v)

    gates = _sc_routing(logits)

    out = pl.pallas_call(
        _moe_body,
        grid=(S // SBLK,),
        in_specs=[row_blk, pl.BlockSpec((E, SBLK), lambda i: (0, i)),
                  row_blk, full(E, D, D), full(E, D)],
        out_specs=row_blk,
        out_shape=jax.ShapeDtypeStruct((S, D), jnp.float32),
    )(ctx, gates, xf, expert_w, expert_b)

    return out.reshape(1, S, D)

# --- scband reference (transcript-rebuilt; emitter-appended) ---
"""Pipeline reference for scband-transformer-memory-layer-31086973288502 (READ-ONLY COPY).

The authoritative reference and input builder live on the scoring server;
editing this copy changes nothing except your own understanding.
"""

import jax, jax.numpy as jnp
import numpy as np

D = 768
H = 12
E = 8
TOP_K = 2
B = 1
S = 2048


def setup_inputs(seed: int = 0) -> dict:
    key = jax.random.key(seed)
    ks = jax.random.split(key, 10)
    scale = 1.0 / np.sqrt(D)
    x = jax.random.normal(ks[0], (B, S, D), dtype=jnp.float32)
    W_q = jax.random.normal(ks[1], (D, D), dtype=jnp.float32) * scale
    b_q = jnp.zeros((D,), dtype=jnp.float32)
    W_k = jax.random.normal(ks[2], (D, D), dtype=jnp.float32) * scale
    b_k = jnp.zeros((D,), dtype=jnp.float32)
    W_v = jax.random.normal(ks[3], (D, D), dtype=jnp.float32) * scale
    b_v = jnp.zeros((D,), dtype=jnp.float32)
    router_w = jax.random.normal(ks[4], (D, E), dtype=jnp.float32) * scale
    router_b = jnp.zeros((E,), dtype=jnp.float32)
    expert_w = jax.random.normal(ks[5], (E, D, D), dtype=jnp.float32) * scale
    expert_b = jnp.zeros((E, D), dtype=jnp.float32)
    ln_gamma = jnp.ones((D,), dtype=jnp.float32)
    ln_beta = jnp.zeros((D,), dtype=jnp.float32)
    return {"x": x, "W_q": W_q, "b_q": b_q, "W_k": W_k, "b_k": b_k, "W_v": W_v, "b_v": b_v,
            "router_w": router_w, "router_b": router_b, "expert_w": expert_w, "expert_b": expert_b,
            "ln_gamma": ln_gamma, "ln_beta": ln_beta}


def reference(x, W_q, b_q, W_k, b_k, W_v, b_v, router_w, router_b, expert_w, expert_b, ln_gamma, ln_beta):
    residual = x
    # LayerNorm (pre-norm)
    mu = jnp.mean(x, axis=-1, keepdims=True)
    var = jnp.var(x, axis=-1, keepdims=True)
    xn = (x - mu) / jnp.sqrt(var + 1e-5) * ln_gamma + ln_beta
    b, s, d = xn.shape
    dh = d // H
    # shared multi-head attention
    q = (xn @ W_q + b_q).reshape(b, s, H, dh).transpose(0, 2, 1, 3)
    k = (xn @ W_k + b_k).reshape(b, s, H, dh).transpose(0, 2, 1, 3)
    v = (xn @ W_v + b_v).reshape(b, s, H, dh).transpose(0, 2, 1, 3)
    scores = jnp.einsum('bhqd,bhkd->bhqk', q, k) / np.sqrt(dh)
    attn = jax.nn.softmax(scores, axis=-1)
    ctx = jnp.einsum('bhqk,bhkd->bhqd', attn, v)
    ctx = ctx.transpose(0, 2, 1, 3).reshape(b, s, d)
    # MoE output projection with top-k routing per token
    logits = xn @ router_w + router_b  # [B, S, E]
    top_vals, top_idx = jax.lax.top_k(logits, TOP_K)  # [B, S, K]
    gates_k = jax.nn.softmax(top_vals, axis=-1)  # [B, S, K]
    gates = jnp.sum(jax.nn.one_hot(top_idx, E, dtype=ctx.dtype) * gates_k[..., None], axis=-2)  # [B, S, E]
    expert_outs = jnp.einsum('bsd,edf->bsef', ctx, expert_w) + expert_b  # [B, S, E, D]
    out = jnp.einsum('bse,bsef->bsf', gates, expert_outs)
    return out + residual

if __name__ == "__main__":
    import jax
    _d = setup_inputs()
    print(jax.jit(kernel)(*tuple(_d.values())))

</pallas_src>

<mosaic_0001>
#map = affine_map<(d0, d1) -> (0, 0)>
module attributes {stable_mosaic.version = 14 : i64} {
  func.func @_routing_body(%arg0: i32, %arg1: i32, %arg2: memref<8x2048xf32, #tpu.memory_space<hbm>>, %arg3: memref<8x2048xf32, #tpu.memory_space<hbm>>, %arg4: memref<512xf32, #tpu.memory_space<vmem>>, %arg5: memref<512xf32, #tpu.memory_space<vmem>>) attributes {dimension_semantics = [#tpu.dimension_semantics<core_parallel>, #tpu.dimension_semantics<subcore_parallel>], iteration_bounds = array<i64: 2, 16>, scalar_prefetch = 0 : i64, scratch_operands = 2 : i64, tpu.core_type = #tpu.core_type<sc_vector_subcore>, window_params = [{transform_indices = #map}, {transform_indices = #map}]} {
    %mul3A = arith.constant 2 : i32
    %mul3A_0 = arith.muli %arg1, %mul3A : i32
    %add3A = arith.addi %mul3A_0, %arg0 : i32
    %mul3A_1 = arith.constant 64 : i32
    %mul3A_2 = arith.muli %add3A, %mul3A_1 : i32
    %run_scoped3A = arith.constant 0 : i32
    "tpu.region"() ({
      %run_scoped3A_751 = tpu.sem_alloc : memref<!tpu.dma_semaphore, #tpu.memory_space<semaphore_mem>>
      %dma_start3A = arith.constant 0 : i32
      %dma_start3A_752 = tpu.memref_slice %arg4[%dma_start3A] : memref<512xf32, #tpu.memory_space<vmem>> -> memref<64xf32, #tpu.memory_space<vmem>>
      %dma_start3A_753 = tpu.memref_slice %arg2[%run_scoped3A, %mul3A_2] : memref<8x2048xf32, #tpu.memory_space<hbm>> -> memref<1x64xf32, #tpu.memory_space<hbm>>
      %dma_start3A_754 = tpu.memref_squeeze %dma_start3A_753 : memref<1x64xf32, #tpu.memory_space<hbm>> -> memref<64xf32, #tpu.memory_space<hbm>>
      %dma_start3A_755 = arith.constant 0 : i32
      %dma_start3A_756 = tpu.memref_slice %arg4[%dma_start3A_755] : memref<512xf32, #tpu.memory_space<vmem>> -> memref<64xf32, #tpu.memory_space<vmem>>
      %dma_start3A_757 = tpu.memref_slice %arg2[%run_scoped3A, %mul3A_2] : memref<8x2048xf32, #tpu.memory_space<hbm>> -> memref<1x64xf32, #tpu.memory_space<hbm>>
      %dma_start3A_758 = tpu.memref_squeeze %dma_start3A_757 : memref<1x64xf32, #tpu.memory_space<hbm>> -> memref<64xf32, #tpu.memory_space<hbm>>
      tpu.enqueue_dma source(%dma_start3A_758 : memref<64xf32, #tpu.memory_space<hbm>>) target(%dma_start3A_756 : memref<64xf32, #tpu.memory_space<vmem>>) target_semaphore(%run_scoped3A_751 : memref<!tpu.dma_semaphore, #tpu.memory_space<semaphore_mem>>)
      %dma_wait3A = arith.constant 0 : i32
      %dma_wait3A_759 = tpu.memref_slice %arg4[%dma_wait3A] : memref<512xf32, #tpu.memory_space<vmem>> -> memref<64xf32, #tpu.memory_space<vmem>>
      %dma_wait3A_760 = tpu.memref_slice %arg2[%run_scoped3A, %mul3A_2] : memref<8x2048xf32, #tpu.memory_space<hbm>> -> memref<1x64xf32, #tpu.memory_space<hbm>>
      %dma_wait3A_761 = tpu.memref_squeeze %dma_wait3A_760 : memref<1x64xf32, #tpu.memory_space<hbm>> -> memref<64xf32, #tpu.memory_space<hbm>>
      %dma_wait3A_762 = arith.constant 0 : i32
      %dma_wait3A_763 = tpu.memref_slice %arg4[%dma_wait3A_762] : memref<512xf32, #tpu.memory_space<vmem>> -> memref<64xf32, #tpu.memory_space<vmem>>
      %dma_wait3A_764 = tpu.memref_slice %arg2[%run_scoped3A, %mul3A_2] : memref<8x2048xf32, #tpu.memory_space<hbm>> -> memref<1x64xf32, #tpu.memory_space<hbm>>
      %dma_wait3A_765 = tpu.memref_squeeze %dma_wait3A_764 : memref<1x64xf32, #tpu.memory_space<hbm>> -> memref<64xf32, #tpu.memory_space<hbm>>
      tpu.wait_dma2 semaphore(%run_scoped3A_751 : memref<!tpu.dma_semaphore, #tpu.memory_space<semaphore_mem>>) src(%dma_wait3A_765 : memref<64xf32, #tpu.memory_space<hbm>>) dst(%dma_wait3A_763 : memref<64xf32, #tpu.memory_space<vmem>>)
      tpu.yield
    }) : () -> ()
    %run_scoped3A_3 = arith.constant 1 : i32
    "tpu.region"() ({
      %run_scoped3A_751 = tpu.sem_alloc : memref<!tpu.dma_semaphore, #tpu.memory_space<semaphore_mem>>
      %dma_start3A = arith.constant 64 : i32
      %dma_start3A_752 = tpu.memref_slice %arg4[%dma_start3A] : memref<512xf32, #tpu.memory_space<vmem>> -> memref<64xf32, #tpu.memory_space<vmem>>
      %dma_start3A_753 = tpu.memref_slice %arg2[%run_scoped3A_3, %mul3A_2] : memref<8x2048xf32, #tpu.memory_space<hbm>> -> memref<1x64xf32, #tpu.memory_space<hbm>>
      %dma_start3A_754 = tpu.memref_squeeze %dma_start3A_753 : memref<1x64xf32, #tpu.memory_space<hbm>> -> memref<64xf32, #tpu.memory_space<hbm>>
      %dma_start3A_755 = arith.constant 64 : i32
      %dma_start3A_756 = tpu.memref_slice %arg4[%dma_start3A_755] : memref<512xf32, #tpu.memory_space<vmem>> -> memref<64xf32, #tpu.memory_space<vmem>>
      %dma_start3A_757 = tpu.memref_slice %arg2[%run_scoped3A_3, %mul3A_2] : memref<8x2048xf32, #tpu.memory_space<hbm>> -> memref<1x64xf32, #tpu.memory_space<hbm>>
      %dma_start3A_758 = tpu.memref_squeeze %dma_start3A_757 : memref<1x64xf32, #tpu.memory_space<hbm>> -> memref<64xf32, #tpu.memory_space<hbm>>
      tpu.enqueue_dma source(%dma_start3A_758 : memref<64xf32, #tpu.memory_space<hbm>>) target(%dma_start3A_756 : memref<64xf32, #tpu.memory_space<vmem>>) target_semaphore(%run_scoped3A_751 : memref<!tpu.dma_semaphore, #tpu.memory_space<semaphore_mem>>)
      %dma_wait3A = arith.constant 64 : i32
      %dma_wait3A_759 = tpu.memref_slice %arg4[%dma_wait3A] : memref<512xf32, #tpu.memory_space<vmem>> -> memref<64xf32, #tpu.memory_space<vmem>>
      %dma_wait3A_760 = tpu.memref_slice %arg2[%run_scoped3A_3, %mul3A_2] : memref<8x2048xf32, #tpu.memory_space<hbm>> -> memref<1x64xf32, #tpu.memory_space<hbm>>
      %dma_wait3A_761 = tpu.memref_squeeze %dma_wait3A_760 : memref<1x64xf32, #tpu.memory_space<hbm>> -> memref<64xf32, #tpu.memory_space<hbm>>
      %dma_wait3A_762 = arith.constant 64 : i32
      %dma_wait3A_763 = tpu.memref_slice %arg4[%dma_wait3A_762] : memref<512xf32, #tpu.memory_space<vmem>> -> memref<64xf32, #tpu.memory_space<vmem>>
      %dma_wait3A_764 = tpu.memref_slice %arg2[%run_scoped3A_3, %mul3A_2] : memref<8x2048xf32, #tpu.memory_space<hbm>> -> memref<1x64xf32, #tpu.memory_space<hbm>>
      %dma_wait3A_765 = tpu.memref_squeeze %dma_wait3A_764 : memref<1x64xf32, #tpu.memory_space<hbm>> -> memref<64xf32, #tpu.memory_space<hbm>>
      tpu.wait_dma2 semaphore(%run_scoped3A_751 : memref<!tpu.dma_semaphore, #tpu.memory_space<semaphore_mem>>) src(%dma_wait3A_765 : memref<64xf32, #tpu.memory_space<hbm>>) dst(%dma_wait3A_763 : memref<64xf32, #tpu.memory_space<vmem>>)
      tpu.yield
    }) : () -> ()
    %run_scoped3A_4 = arith.constant 2 : i32
    "tpu.region"() ({
      %run_scoped3A_751 = tpu.sem_alloc : memref<!tpu.dma_semaphore, #tpu.memory_space<semaphore_mem>>
      %dma_start3A = arith.constant 128 : i32
      %dma_start3A_752 = tpu.memref_slice %arg4[%dma_start3A] : memref<512xf32, #tpu.memory_space<vmem>> -> memref<64xf32, #tpu.memory_space<vmem>>
      %dma_start3A_753 = tpu.memref_slice %arg2[%run_scoped3A_4, %mul3A_2] : memref<8x2048xf32, #tpu.memory_space<hbm>> -> memref<1x64xf32, #tpu.memory_space<hbm>>
      %dma_start3A_754 = tpu.memref_squeeze %dma_start3A_753 : memref<1x64xf32, #tpu.memory_space<hbm>> -> memref<64xf32, #tpu.memory_space<hbm>>
      %dma_start3A_755 = arith.constant 128 : i32
      %dma_start3A_756 = tpu.memref_slice %arg4[%dma_start3A_755] : memref<512xf32, #tpu.memory_space<vmem>> -> memref<64xf32, #tpu.memory_space<vmem>>
      %dma_start3A_757 = tpu.memref_slice %arg2[%run_scoped3A_4, %mul3A_2] : memref<8x2048xf32, #tpu.memory_space<hbm>> -> memref<1x64xf32, #tpu.memory_space<hbm>>
      %dma_start3A_758 = tpu.memref_squeeze %dma_start3A_757 : memref<1x64xf32, #tpu.memory_space<hbm>> -> memref<64xf32, #tpu.memory_space<hbm>>
      tpu.enqueue_dma source(%dma_start3A_758 : memref<64xf32, #tpu.memory_space<hbm>>) target(%dma_start3A_756 : memref<64xf32, #tpu.memory_space<vmem>>) target_semaphore(%run_scoped3A_751 : memref<!tpu.dma_semaphore, #tpu.memory_space<semaphore_mem>>)
      %dma_wait3A = arith.constant 128 : i32
      %dma_wait3A_759 = tpu.memref_slice %arg4[%dma_wait3A] : memref<512xf32, #tpu.memory_space<vmem>> -> memref<64xf32, #tpu.memory_space<vmem>>
      %dma_wait3A_760 = tpu.memref_slice %arg2[%run_scoped3A_4, %mul3A_2] : memref<8x2048xf32, #tpu.memory_space<hbm>> -> memref<1x64xf32, #tpu.memory_space<hbm>>
      %dma_wait3A_761 = tpu.memref_squeeze %dma_wait3A_760 : memref<1x64xf32, #tpu.memory_space<hbm>> -> memref<64xf32, #tpu.memory_space<hbm>>
      %dma_wait3A_762 = arith.constant 128 : i32
      %dma_wait3A_763 = tpu.memref_slice %arg4[%dma_wait3A_762] : memref<512xf32, #tpu.memory_space<vmem>> -> memref<64xf32, #tpu.memory_space<vmem>>
      %dma_wait3A_764 = tpu.memref_slice %arg2[%run_scoped3A_4, %mul3A_2] : memref<8x2048xf32, #tpu.memory_space<hbm>> -> memref<1x64xf32, #tpu.memory_space<hbm>>
      %dma_wait3A_765 = tpu.memref_squeeze %dma_wait3A_764 : memref<1x64xf32, #tpu.memory_space<hbm>> -> memref<64xf32, #tpu.memory_space<hbm>>
      tpu.wait_dma2 semaphore(%run_scoped3A_751 : memref<!tpu.dma_semaphore, #tpu.memory_space<semaphore_mem>>) src(%dma_wait3A_765 : memref<64xf32, #tpu.memory_space<hbm>>) dst(%dma_wait3A_763 : memref<64xf32, #tpu.memory_space<vmem>>)
      tpu.yield
    }) : () -> ()
    %run_scoped3A_5 = arith.constant 3 : i32
    "tpu.region"() ({
      %run_scoped3A_751 = tpu.sem_alloc : memref<!tpu.dma_semaphore, #tpu.memory_space<semaphore_mem>>
      %dma_start3A = arith.constant 192 : i32
      %dma_start3A_752 = tpu.memref_slice %arg4[%dma_start3A] : memref<512xf32, #tpu.memory_space<vmem>> -> memref<64xf32, #tpu.memory_space<vmem>>
      %dma_start3A_753 = tpu.memref_slice %arg2[%run_scoped3A_5, %mul3A_2] : memref<8x2048xf32, #tpu.memory_space<hbm>> -> memref<1x64xf32, #tpu.memory_space<hbm>>
      %dma_start3A_754 = tpu.memref_squeeze %dma_start3A_753 : memref<1x64xf32, #tpu.memory_space<hbm>> -> memref<64xf32, #tpu.memory_space<hbm>>
      %dma_start3A_755 = arith.constant 192 : i32
      %dma_start3A_756 = tpu.memref_slice %arg4[%dma_start3A_755] : memref<512xf32, #tpu.memory_space<vmem>> -> memref<64xf32, #tpu.memory_space<vmem>>
      %dma_start3A_757 = tpu.memref_slice %arg2[%run_scoped3A_5, %mul3A_2] : memref<8x2048xf32, #tpu.memory_space<hbm>> -> memref<1x64xf32, #tpu.memory_space<hbm>>
      %dma_start3A_758 = tpu.memref_squeeze %dma_start3A_757 : memref<1x64xf32, #tpu.memory_space<hbm>> -> memref<64xf32, #tpu.memory_space<hbm>>
      tpu.enqueue_dma source(%dma_start3A_758 : memref<64xf32, #tpu.memory_space<hbm>>) target(%dma_start3A_756 : memref<64xf32, #tpu.memory_space<vmem>>) target_semaphore(%run_scoped3A_751 : memref<!tpu.dma_semaphore, #tpu.memory_space<semaphore_mem>>)
      %dma_wait3A = arith.constant 192 : i32
      %dma_wait3A_759 = tpu.memref_slice %arg4[%dma_wait3A] : memref<512xf32, #tpu.memory_space<vmem>> -> memref<64xf32, #tpu.memory_space<vmem>>
      %dma_wait3A_760 = tpu.memref_slice %arg2[%run_scoped3A_5, %mul3A_2] : memref<8x2048xf32, #tpu.memory_space<hbm>> -> memref<1x64xf32, #tpu.memory_space<hbm>>
      %dma_wait3A_761 = tpu.memref_squeeze %dma_wait3A_760 : memref<1x64xf32, #tpu.memory_space<hbm>> -> memref<64xf32, #tpu.memory_space<hbm>>
      %dma_wait3A_762 = arith.constant 192 : i32
      %dma_wait3A_763 = tpu.memref_slice %arg4[%dma_wait3A_762] : memref<512xf32, #tpu.memory_space<vmem>> -> memref<64xf32, #tpu.memory_space<vmem>>
      %dma_wait3A_764 = tpu.memref_slice %arg2[%run_scoped3A_5, %mul3A_2] : memref<8x2048xf32, #tpu.memory_space<hbm>> -> memref<1x64xf32, #tpu.memory_space<hbm>>
      %dma_wait3A_765 = tpu.memref_squeeze %dma_wait3A_764 : memref<1x64xf32, #tpu.memory_space<hbm>> -> memref<64xf32, #tpu.memory_space<hbm>>
      tpu.wait_dma2 semaphore(%run_scoped3A_751 : memref<!tpu.dma_semaphore, #tpu.memory_space<semaphore_mem>>) src(%dma_wait3A_765 : memref<64xf32, #tpu.memory_space<hbm>>) dst(%dma_wait3A_763 : memref<64xf32, #tpu.memory_space<vmem>>)
      tpu.yield
    }) : () -> ()
    %run_scoped3A_6 = arith.constant 4 : i32
    "tpu.region"() ({
      %run_scoped3A_751 = tpu.sem_alloc : memref<!tpu.dma_semaphore, #tpu.memory_space<semaphore_mem>>
      %dma_start3A = arith.constant 256 : i32
      %dma_start3A_752 = tpu.memref_slice %arg4[%dma_start3A] : memref<512xf32, #tpu.memory_space<vmem>> -> memref<64xf32, #tpu.memory_space<vmem>>
      %dma_start3A_753 = tpu.memref_slice %arg2[%run_scoped3A_6, %mul3A_2] : memref<8x2048xf32, #tpu.memory_space<hbm>> -> memref<1x64xf32, #tpu.memory_space<hbm>>
      %dma_start3A_754 = tpu.memref_squeeze %dma_start3A_753 : memref<1x64xf32, #tpu.memory_space<hbm>> -> memref<64xf32, #tpu.memory_space<hbm>>
      %dma_start3A_755 = arith.constant 256 : i32
      %dma_start3A_756 = tpu.memref_slice %arg4[%dma_start3A_755] : memref<512xf32, #tpu.memory_space<vmem>> -> memref<64xf32, #tpu.memory_space<vmem>>
      %dma_start3A_757 = tpu.memref_slice %arg2[%run_scoped3A_6, %mul3A_2] : memref<8x2048xf32, #tpu.memory_space<hbm>> -> memref<1x64xf32, #tpu.memory_space<hbm>>
      %dma_start3A_758 = tpu.memref_squeeze %dma_start3A_757 : memref<1x64xf32, #tpu.memory_space<hbm>> -> memref<64xf32, #tpu.memory_space<hbm>>
      tpu.enqueue_dma source(%dma_start3A_758 : memref<64xf32, #tpu.memory_space<hbm>>) target(%dma_start3A_756 : memref<64xf32, #tpu.memory_space<vmem>>) target_semaphore(%run_scoped3A_751 : memref<!tpu.dma_semaphore, #tpu.memory_space<semaphore_mem>>)
      %dma_wait3A = arith.constant 256 : i32
      %dma_wait3A_759 = tpu.memref_slice %arg4[%dma_wait3A] : memref<512xf32, #tpu.memory_space<vmem>> -> memref<64xf32, #tpu.memory_space<vmem>>
      %dma_wait3A_760 = tpu.memref_slice %arg2[%run_scoped3A_6, %mul3A_2] : memref<8x2048xf32, #tpu.memory_space<hbm>> -> memref<1x64xf32, #tpu.memory_space<hbm>>
      %dma_wait3A_761 = tpu.memref_squeeze %dma_wait3A_760 : memref<1x64xf32, #tpu.memory_space<hbm>> -> memref<64xf32, #tpu.memory_space<hbm>>
      %dma_wait3A_762 = arith.constant 256 : i32
      %dma_wait3A_763 = tpu.memref_slice %arg4[%dma_wait3A_762] : memref<512xf32, #tpu.memory_space<vmem>> -> memref<64xf32, #tpu.memory_space<vmem>>
      %dma_wait3A_764 = tpu.memref_slice %arg2[%run_scoped3A_6, %mul3A_2] : memref<8x2048xf32, #tpu.memory_space<hbm>> -> memref<1x64xf32, #tpu.memory_space<hbm>>
      %dma_wait3A_765 = tpu.memref_squeeze %dma_wait3A_764 : memref<1x64xf32, #tpu.memory_space<hbm>> -> memref<64xf32, #tpu.memory_space<hbm>>
      tpu.wait_dma2 semaphore(%run_scoped3A_751 : memref<!tpu.dma_semaphore, #tpu.memory_space<semaphore_mem>>) src(%dma_wait3A_765 : memref<64xf32, #tpu.memory_space<hbm>>) dst(%dma_wait3A_763 : memref<64xf32, #tpu.memory_space<vmem>>)
      tpu.yield
    }) : () -> ()
    %run_scoped3A_7 = arith.constant 5 : i32
    "tpu.region"() ({
      %run_scoped3A_751 = tpu.sem_alloc : memref<!tpu.dma_semaphore, #tpu.memory_space<semaphore_mem>>
      %dma_start3A = arith.constant 320 : i32
      %dma_start3A_752 = tpu.memref_slice %arg4[%dma_start3A] : memref<512xf32, #tpu.memory_space<vmem>> -> memref<64xf32, #tpu.memory_space<vmem>>
      %dma_start3A_753 = tpu.memref_slice %arg2[%run_scoped3A_7, %mul3A_2] : memref<8x2048xf32, #tpu.memory_space<hbm>> -> memref<1x64xf32, #tpu.memory_space<hbm>>
      %dma_start3A_754 = tpu.memref_squeeze %dma_start3A_753 : memref<1x64xf32, #tpu.memory_space<hbm>> -> memref<64xf32, #tpu.memory_space<hbm>>
      %dma_start3A_755 = arith.constant 320 : i32
      %dma_start3A_756 = tpu.memref_slice %arg4[%dma_start3A_755] : memref<512xf32, #tpu.memory_space<vmem>> -> memref<64xf32, #tpu.memory_space<vmem>>
      %dma_start3A_757 = tpu.memref_slice %arg2[%run_scoped3A_7, %mul3A_2] : memref<8x2048xf32, #tpu.memory_space<hbm>> -> memref<1x64xf32, #tpu.memory_space<hbm>>
      %dma_start3A_758 = tpu.memref_squeeze %dma_start3A_757 : memref<1x64xf32, #tpu.memory_space<hbm>> -> memref<64xf32, #tpu.memory_space<hbm>>
      tpu.enqueue_dma source(%dma_start3A_758 : memref<64xf32, #tpu.memory_space<hbm>>) target(%dma_start3A_756 : memref<64xf32, #tpu.memory_space<vmem>>) target_semaphore(%run_scoped3A_751 : memref<!tpu.dma_semaphore, #tpu.memory_space<semaphore_mem>>)
      %dma_wait3A = arith.constant 320 : i32
      %dma_wait3A_759 = tpu.memref_slice %arg4[%dma_wait3A] : memref<512xf32, #tpu.memory_space<vmem>> -> memref<64xf32, #tpu.memory_space<vmem>>
      %dma_wait3A_760 = tpu.memref_slice %arg2[%run_scoped3A_7, %mul3A_2] : memref<8x2048xf32, #tpu.memory_space<hbm>> -> memref<1x64xf32, #tpu.memory_space<hbm>>
      %dma_wait3A_761 = tpu.memref_squeeze %dma_wait3A_760 : memref<1x64xf32, #tpu.memory_space<hbm>> -> memref<64xf32, #tpu.memory_space<hbm>>
      %dma_wait3A_762 = arith.constant 320 : i32
      %dma_wait3A_763 = tpu.memref_slice %arg4[%dma_wait3A_762] : memref<512xf32, #tpu.memory_space<vmem>> -> memref<64xf32, #tpu.memory_space<vmem>>
      %dma_wait3A_764 = tpu.memref_slice %arg2[%run_scoped3A_7, %mul3A_2] : memref<8x2048xf32, #tpu.memory_space<hbm>> -> memref<1x64xf32, #tpu.memory_space<hbm>>
      %dma_wait3A_765 = tpu.memref_squeeze %dma_wait3A_764 : memref<1x64xf32, #tpu.memory_space<hbm>> -> memref<64xf32, #tpu.memory_space<hbm>>
      tpu.wait_dma2 semaphore(%run_scoped3A_751 : memref<!tpu.dma_semaphore, #tpu.memory_space<semaphore_mem>>) src(%dma_wait3A_765 : memref<64xf32, #tpu.memory_space<hbm>>) dst(%dma_wait3A_763 : memref<64xf32, #tpu.memory_space<vmem>>)
      tpu.yield
    }) : () -> ()
    %run_scoped3A_8 = arith.constant 6 : i32
    "tpu.region"() ({
      %run_scoped3A_751 = tpu.sem_alloc : memref<!tpu.dma_semaphore, #tpu.memory_space<semaphore_mem>>
      %dma_start3A = arith.constant 384 : i32
      %dma_start3A_752 = tpu.memref_slice %arg4[%dma_start3A] : memref<512xf32, #tpu.memory_space<vmem>> -> memref<64xf32, #tpu.memory_space<vmem>>
      %dma_start3A_753 = tpu.memref_slice %arg2[%run_scoped3A_8, %mul3A_2] : memref<8x2048xf32, #tpu.memory_space<hbm>> -> memref<1x64xf32, #tpu.memory_space<hbm>>
      %dma_start3A_754 = tpu.memref_squeeze %dma_start3A_753 : memref<1x64xf32, #tpu.memory_space<hbm>> -> memref<64xf32, #tpu.memory_space<hbm>>
      %dma_start3A_755 = arith.constant 384 : i32
      %dma_start3A_756 = tpu.memref_slice %arg4[%dma_start3A_755] : memref<512xf32, #tpu.memory_space<vmem>> -> memref<64xf32, #tpu.memory_space<vmem>>
      %dma_start3A_757 = tpu.memref_slice %arg2[%run_scoped3A_8, %mul3A_2] : memref<8x2048xf32, #tpu.memory_space<hbm>> -> memref<1x64xf32, #tpu.memory_space<hbm>>
      %dma_start3A_758 = tpu.memref_squeeze %dma_start3A_757 : memref<1x64xf32, #tpu.memory_space<hbm>> -> memref<64xf32, #tpu.memory_space<hbm>>
      tpu.enqueue_dma source(%dma_start3A_758 : memref<64xf32, #tpu.memory_space<hbm>>) target(%dma_start3A_756 : memref<64xf32, #tpu.memory_space<vmem>>) target_semaphore(%run_scoped3A_751 : memref<!tpu.dma_semaphore, #tpu.memory_space<semaphore_mem>>)
      %dma_wait3A = arith.constant 384 : i32
      %dma_wait3A_759 = tpu.memref_slice %arg4[%dma_wait3A] : memref<512xf32, #tpu.memory_space<vmem>> -> memref<64xf32, #tpu.memory_space<vmem>>
      %dma_wait3A_760 = tpu.memref_slice %arg2[%run_scoped3A_8, %mul3A_2] : memref<8x2048xf32, #tpu.memory_space<hbm>> -> memref<1x64xf32, #tpu.memory_space<hbm>>
      %dma_wait3A_761 = tpu.memref_squeeze %dma_wait3A_760 : memref<1x64xf32, #tpu.memory_space<hbm>> -> memref<64xf32, #tpu.memory_space<hbm>>
      %dma_wait3A_762 = arith.constant 384 : i32
      %dma_wait3A_763 = tpu.memref_slice %arg4[%dma_wait3A_762] : memref<512xf32, #tpu.memory_space<vmem>> -> memref<64xf32, #tpu.memory_space<vmem>>
      %dma_wait3A_764 = tpu.memref_slice %arg2[%run_scoped3A_8, %mul3A_2] : memref<8x2048xf32, #tpu.memory_space<hbm>> -> memref<1x64xf32, #tpu.memory_space<hbm>>
      %dma_wait3A_765 = tpu.memref_squeeze %dma_wait3A_764 : memref<1x64xf32, #tpu.memory_space<hbm>> -> memref<64xf32, #tpu.memory_space<hbm>>
      tpu.wait_dma2 semaphore(%run_scoped3A_751 : memref<!tpu.dma_semaphore, #tpu.memory_space<semaphore_mem>>) src(%dma_wait3A_765 : memref<64xf32, #tpu.memory_space<hbm>>) dst(%dma_wait3A_763 : memref<64xf32, #tpu.memory_space<vmem>>)
      tpu.yield
    }) : () -> ()
    %run_scoped3A_9 = arith.constant 7 : i32
    "tpu.region"() ({
      %run_scoped3A_751 = tpu.sem_alloc : memref<!tpu.dma_semaphore, #tpu.memory_space<semaphore_mem>>
      %dma_start3A = arith.constant 448 : i32
      %dma_start3A_752 = tpu.memref_slice %arg4[%dma_start3A] : memref<512xf32, #tpu.memory_space<vmem>> -> memref<64xf32, #tpu.memory_space<vmem>>
      %dma_start3A_753 = tpu.memref_slice %arg2[%run_scoped3A_9, %mul3A_2] : memref<8x2048xf32, #tpu.memory_space<hbm>> -> memref<1x64xf32, #tpu.memory_space<hbm>>
      %dma_start3A_754 = tpu.memref_squeeze %dma_start3A_753 : memref<1x64xf32, #tpu.memory_space<hbm>> -> memref<64xf32, #tpu.memory_space<hbm>>
      %dma_start3A_755 = arith.constant 448 : i32
      %dma_start3A_756 = tpu.memref_slice %arg4[%dma_start3A_755] : memref<512xf32, #tpu.memory_space<vmem>> -> memref<64xf32, #tpu.memory_space<vmem>>
      %dma_start3A_757 = tpu.memref_slice %arg2[%run_scoped3A_9, %mul3A_2] : memref<8x2048xf32, #tpu.memory_space<hbm>> -> memref<1x64xf32, #tpu.memory_space<hbm>>
      %dma_start3A_758 = tpu.memref_squeeze %dma_start3A_757 : memref<1x64xf32, #tpu.memory_space<hbm>> -> memref<64xf32, #tpu.memory_space<hbm>>
      tpu.enqueue_dma source(%dma_start3A_758 : memref<64xf32, #tpu.memory_space<hbm>>) target(%dma_start3A_756 : memref<64xf32, #tpu.memory_space<vmem>>) target_semaphore(%run_scoped3A_751 : memref<!tpu.dma_semaphore, #tpu.memory_space<semaphore_mem>>)
      %dma_wait3A = arith.constant 448 : i32
      %dma_wait3A_759 = tpu.memref_slice %arg4[%dma_wait3A] : memref<512xf32, #tpu.memory_space<vmem>> -> memref<64xf32, #tpu.memory_space<vmem>>
      %dma_wait3A_760 = tpu.memref_slice %arg2[%run_scoped3A_9, %mul3A_2] : memref<8x2048xf32, #tpu.memory_space<hbm>> -> memref<1x64xf32, #tpu.memory_space<hbm>>
      %dma_wait3A_761 = tpu.memref_squeeze %dma_wait3A_760 : memref<1x64xf32, #tpu.memory_space<hbm>> -> memref<64xf32, #tpu.memory_space<hbm>>
      %dma_wait3A_762 = arith.constant 448 : i32
      %dma_wait3A_763 = tpu.memref_slice %arg4[%dma_wait3A_762] : memref<512xf32, #tpu.memory_space<vmem>> -> memref<64xf32, #tpu.memory_space<vmem>>
      %dma_wait3A_764 = tpu.memref_slice %arg2[%run_scoped3A_9, %mul3A_2] : memref<8x2048xf32, #tpu.memory_space<hbm>> -> memref<1x64xf32, #tpu.memory_space<hbm>>
      %dma_wait3A_765 = tpu.memref_squeeze %dma_wait3A_764 : memref<1x64xf32, #tpu.memory_space<hbm>> -> memref<64xf32, #tpu.memory_space<hbm>>
      tpu.wait_dma2 semaphore(%run_scoped3A_751 : memref<!tpu.dma_semaphore, #tpu.memory_space<semaphore_mem>>) src(%dma_wait3A_765 : memref<64xf32, #tpu.memory_space<hbm>>) dst(%dma_wait3A_763 : memref<64xf32, #tpu.memory_space<vmem>>)
      tpu.yield
    }) : () -> ()
    %broadcast_in_dim3A = arith.constant -1.000000e+30 : f32
    %broadcast_in_dim3A_10 = vector.broadcast %broadcast_in_dim3A : f32 to vector<16xf32>
    %broadcast_in_dim3A_11 = arith.constant 0.000000e+00 : f32
    %broadcast_in_dim3A_12 = vector.broadcast %broadcast_in_dim3A_11 : f32 to vector<16xf32>
    %broadcast_in_dim3A_13 = arith.constant 1.000000e+00 : f32
    %broadcast_in_dim3A_14 = vector.broadcast %broadcast_in_dim3A_13 : f32 to vector<16xf32>
    %broadcast_in_dim3A_15 = arith.constant 0 : i32
    %broadcast_in_dim3A_16 = vector.broadcast %broadcast_in_dim3A_15 : i32 to vector<16xi32>
    %broadcast_in_dim3A_17 = arith.constant 1 : i32
    %broadcast_in_dim3A_18 = vector.broadcast %broadcast_in_dim3A_17 : i32 to vector<16xi32>
    %broadcast_in_dim3A_19 = arith.constant 2 : i32
    %broadcast_in_dim3A_20 = vector.broadcast %broadcast_in_dim3A_19 : i32 to vector<16xi32>
    %broadcast_in_dim3A_21 = arith.constant 3 : i32
    %broadcast_in_dim3A_22 = vector.broadcast %broadcast_in_dim3A_21 : i32 to vector<16xi32>
    %broadcast_in_dim3A_23 = arith.constant 4 : i32
    %broadcast_in_dim3A_24 = vector.broadcast %broadcast_in_dim3A_23 : i32 to vector<16xi32>
    %broadcast_in_dim3A_25 = arith.constant 5 : i32
    %broadcast_in_dim3A_26 = vector.broadcast %broadcast_in_dim3A_25 : i32 to vector<16xi32>
    %broadcast_in_dim3A_27 = arith.constant 6 : i32
    %broadcast_in_dim3A_28 = vector.broadcast %broadcast_in_dim3A_27 : i32 to vector<16xi32>
    %broadcast_in_dim3A_29 = arith.constant 7 : i32
    %broadcast_in_dim3A_30 = vector.broadcast %broadcast_in_dim3A_29 : i32 to vector<16xi32>
    %get3A = arith.constant 0 : index
    %get3A_31 = tpu.vector_load %arg4[%get3A] {strides = array<i32>} : memref<512xf32, #tpu.memory_space<vmem>>, vector<16xf32>,
    %get3A_32 = vector.shape_cast %get3A_31 : vector<16xf32> to vector<16xf32>
    %get3A_33 = arith.constant 64 : index
    %get3A_34 = tpu.vector_load %arg4[%get3A_33] {strides = array<i32>} : memref<512xf32, #tpu.memory_space<vmem>>, vector<16xf32>,
    %get3A_35 = vector.shape_cast %get3A_34 : vector<16xf32> to vector<16xf32>
    %get3A_36 = arith.constant 128 : index
    %get3A_37 = tpu.vector_load %arg4[%get3A_36] {strides = array<i32>} : memref<512xf32, #tpu.memory_space<vmem>>, vector<16xf32>,
    %get3A_38 = vector.shape_cast %get3A_37 : vector<16xf32> to vector<16xf32>
    %get3A_39 = arith.constant 192 : index
    %get3A_40 = tpu.vector_load %arg4[%get3A_39] {strides = array<i32>} : memref<512xf32, #tpu.memory_space<vmem>>, vector<16xf32>,
    %get3A_41 = vector.shape_cast %get3A_40 : vector<16xf32> to vector<16xf32>
    %get3A_42 = arith.constant 256 : index
    %get3A_43 = tpu.vector_load %arg4[%get3A_42] {strides = array<i32>} : memref<512xf32, #tpu.memory_space<vmem>>, vector<16xf32>,
    %get3A_44 = vector.shape_cast %get3A_43 : vector<16xf32> to vector<16xf32>
    %get3A_45 = arith.constant 320 : index
    %get3A_46 = tpu.vector_load %arg4[%get3A_45] {strides = array<i32>} : memref<512xf32, #tpu.memory_space<vmem>>, vector<16xf32>,
    %get3A_47 = vector.shape_cast %get3A_46 : vector<16xf32> to vector<16xf32>
    %get3A_48 = arith.constant 384 : index
    %get3A_49 = tpu.vector_load %arg4[%get3A_48] {strides = array<i32>} : memref<512xf32, #tpu.memory_space<vmem>>, vector<16xf32>,
    %get3A_50 = vector.shape_cast %get3A_49 : vector<16xf32> to vector<16xf32>
    %get3A_51 = arith.constant 448 : index
    %get3A_52 = tpu.vector_load %arg4[%get3A_51] {strides = array<i32>} : memref<512xf32, #tpu.memory_space<vmem>>, vector<16xf32>,
    %get3A_53 = vector.shape_cast %get3A_52 : vector<16xf32> to vector<16xf32>
    %max3A = arith.maximumf %get3A_32, %get3A_35 : vector<16xf32>
    %max3A_54 = arith.maximumf %max3A, %get3A_38 : vector<16xf32>
    %max3A_55 = arith.maximumf %max3A_54, %get3A_41 : vector<16xf32>
    %max3A_56 = arith.maximumf %max3A_55, %get3A_44 : vector<16xf32>
    %max3A_57 = arith.maximumf %max3A_56, %get3A_47 : vector<16xf32>
    %max3A_58 = arith.maximumf %max3A_57, %get3A_50 : vector<16xf32>
    %max3A_59 = arith.maximumf %max3A_58, %get3A_53 : vector<16xf32>
    %eq3A = arith.cmpf oeq, %get3A_53, %max3A_59 : vector<16xf32>
    %select_n3A = arith.select %eq3A, %broadcast_in_dim3A_30, %broadcast_in_dim3A_16 : vector<16xi1>, vector<16xi32>
    %eq3A_60 = arith.cmpf oeq, %get3A_50, %max3A_59 : vector<16xf32>
    %select_n3A_61 = arith.select %eq3A_60, %broadcast_in_dim3A_28, %select_n3A : vector<16xi1>, vector<16xi32>
    %eq3A_62 = arith.cmpf oeq, %get3A_47, %max3A_59 : vector<16xf32>
    %select_n3A_63 = arith.select %eq3A_62, %broadcast_in_dim3A_26, %select_n3A_61 : vector<16xi1>, vector<16xi32>
    %eq3A_64 = arith.cmpf oeq, %get3A_44, %max3A_59 : vector<16xf32>
    %select_n3A_65 = arith.select %eq3A_64, %broadcast_in_dim3A_24, %select_n3A_63 : vector<16xi1>, vector<16xi32>
    %eq3A_66 = arith.cmpf oeq, %get3A_41, %max3A_59 : vector<16xf32>
    %select_n3A_67 = arith.select %eq3A_66, %broadcast_in_dim3A_22, %select_n3A_65 : vector<16xi1>, vector<16xi32>
    %eq3A_68 = arith.cmpf oeq, %get3A_38, %max3A_59 : vector<16xf32>
    %select_n3A_69 = arith.select %eq3A_68, %broadcast_in_dim3A_20, %select_n3A_67 : vector<16xi1>, vector<16xi32>
    %eq3A_70 = arith.cmpf oeq, %get3A_35, %max3A_59 : vector<16xf32>
    %select_n3A_71 = arith.select %eq3A_70, %broadcast_in_dim3A_18, %select_n3A_69 : vector<16xi1>, vector<16xi32>
    %eq3A_72 = arith.cmpf oeq, %get3A_32, %max3A_59 : vector<16xf32>
    %select_n3A_73 = arith.select %eq3A_72, %broadcast_in_dim3A_16, %select_n3A_71 : vector<16xi1>, vector<16xi32>
    %eq3A_74 = arith.cmpi eq, %select_n3A_73, %broadcast_in_dim3A_16 : vector<16xi32>
    %select_n3A_75 = arith.select %eq3A_74, %broadcast_in_dim3A_10, %get3A_32 : vector<16xi1>, vector<16xf32>
    %max3A_76 = arith.maximumf %broadcast_in_dim3A_10, %select_n3A_75 : vector<16xf32>
    %eq3A_77 = arith.cmpi eq, %select_n3A_73, %broadcast_in_dim3A_18 : vector<16xi32>
    %select_n3A_78 = arith.select %eq3A_77, %broadcast_in_dim3A_10, %get3A_35 : vector<16xi1>, vector<16xf32>
    %max3A_79 = arith.maximumf %max3A_76, %select_n3A_78 : vector<16xf32>
    %eq3A_80 = arith.cmpi eq, %select_n3A_73, %broadcast_in_dim3A_20 : vector<16xi32>
    %select_n3A_81 = arith.select %eq3A_80, %broadcast_in_dim3A_10, %get3A_38 : vector<16xi1>, vector<16xf32>
    %max3A_82 = arith.maximumf %max3A_79, %select_n3A_81 : vector<16xf32>
    %eq3A_83 = arith.cmpi eq, %select_n3A_73, %broadcast_in_dim3A_22 : vector<16xi32>
    %select_n3A_84 = arith.select %eq3A_83, %broadcast_in_dim3A_10, %get3A_41 : vector<16xi1>, vector<16xf32>
    %max3A_85 = arith.maximumf %max3A_82, %select_n3A_84 : vector<16xf32>
    %eq3A_86 = arith.cmpi eq, %select_n3A_73, %broadcast_in_dim3A_24 : vector<16xi32>
    %select_n3A_87 = arith.select %eq3A_86, %broadcast_in_dim3A_10, %get3A_44 : vector<16xi1>, vector<16xf32>
    %max3A_88 = arith.maximumf %max3A_85, %select_n3A_87 : vector<16xf32>
    %eq3A_89 = arith.cmpi eq, %select_n3A_73, %broadcast_in_dim3A_26 : vector<16xi32>
    %select_n3A_90 = arith.select %eq3A_89, %broadcast_in_dim3A_10, %get3A_47 : vector<16xi1>, vector<16xf32>
    %max3A_91 = arith.maximumf %max3A_88, %select_n3A_90 : vector<16xf32>
    %eq3A_92 = arith.cmpi eq, %select_n3A_73, %broadcast_in_dim3A_28 : vector<16xi32>
    %select_n3A_93 = arith.select %eq3A_92, %broadcast_in_dim3A_10, %get3A_50 : vector<16xi1>, vector<16xf32>
    %max3A_94 = arith.maximumf %max3A_91, %select_n3A_93 : vector<16xf32>
    %eq3A_95 = arith.cmpi eq, %select_n3A_73, %broadcast_in_dim3A_30 : vector<16xi32>
    %select_n3A_96 = arith.select %eq3A_95, %broadcast_in_dim3A_10, %get3A_53 : vector<16xi1>, vector<16xf32>
    %max3A_97 = arith.maximumf %max3A_94, %select_n3A_96 : vector<16xf32>
    %eq3A_98 = arith.cmpi eq, %select_n3A_73, %broadcast_in_dim3A_30 : vector<16xi32>
    %select_n3A_99 = arith.select %eq3A_98, %broadcast_in_dim3A_10, %get3A_53 : vector<16xi1>, vector<16xf32>
    %eq3A_100 = arith.cmpf oeq, %select_n3A_99, %max3A_97 : vector<16xf32>
    %select_n3A_101 = arith.select %eq3A_100, %broadcast_in_dim3A_30, %broadcast_in_dim3A_16 : vector<16xi1>, vector<16xi32>
    %eq3A_102 = arith.cmpi eq, %select_n3A_73, %broadcast_in_dim3A_28 : vector<16xi32>
    %select_n3A_103 = arith.select %eq3A_102, %broadcast_in_dim3A_10, %get3A_50 : vector<16xi1>, vector<16xf32>
    %eq3A_104 = arith.cmpf oeq, %select_n3A_103, %max3A_97 : vector<16xf32>
    %select_n3A_105 = arith.select %eq3A_104, %broadcast_in_dim3A_28, %select_n3A_101 : vector<16xi1>, vector<16xi32>
    %eq3A_106 = arith.cmpi eq, %select_n3A_73, %broadcast_in_dim3A_26 : vector<16xi32>
    %select_n3A_107 = arith.select %eq3A_106, %broadcast_in_dim3A_10, %get3A_47 : vector<16xi1>, vector<16xf32>
    %eq3A_108 = arith.cmpf oeq, %select_n3A_107, %max3A_97 : vector<16xf32>
    %select_n3A_109 = arith.select %eq3A_108, %broadcast_in_dim3A_26, %select_n3A_105 : vector<16xi1>, vector<16xi32>
    %eq3A_110 = arith.cmpi eq, %select_n3A_73, %broadcast_in_dim3A_24 : vector<16xi32>
    %select_n3A_111 = arith.select %eq3A_110, %broadcast_in_dim3A_10, %get3A_44 : vector<16xi1>, vector<16xf32>
    %eq3A_112 = arith.cmpf oeq, %select_n3A_111, %max3A_97 : vector<16xf32>
    %select_n3A_113 = arith.select %eq3A_112, %broadcast_in_dim3A_24, %select_n3A_109 : vector<16xi1>, vector<16xi32>
    %eq3A_114 = arith.cmpi eq, %select_n3A_73, %broadcast_in_dim3A_22 : vector<16xi32>
    %select_n3A_115 = arith.select %eq3A_114, %broadcast_in_dim3A_10, %get3A_41 : vector<16xi1>, vector<16xf32>
    %eq3A_116 = arith.cmpf oeq, %select_n3A_115, %max3A_97 : vector<16xf32>
    %select_n3A_117 = arith.select %eq3A_116, %broadcast_in_dim3A_22, %select_n3A_113 : vector<16xi1>, vector<16xi32>
    %eq3A_118 = arith.cmpi eq, %select_n3A_73, %broadcast_in_dim3A_20 : vector<16xi32>
    %select_n3A_119 = arith.select %eq3A_118, %broadcast_in_dim3A_10, %get3A_38 : vector<16xi1>, vector<16xf32>
    %eq3A_120 = arith.cmpf oeq, %select_n3A_119, %max3A_97 : vector<16xf32>
    %select_n3A_121 = arith.select %eq3A_120, %broadcast_in_dim3A_20, %select_n3A_117 : vector<16xi1>, vector<16xi32>
    %eq3A_122 = arith.cmpi eq, %select_n3A_73, %broadcast_in_dim3A_18 : vector<16xi32>
    %select_n3A_123 = arith.select %eq3A_122, %broadcast_in_dim3A_10, %get3A_35 : vector<16xi1>, vector<16xf32>
    %eq3A_124 = arith.cmpf oeq, %select_n3A_123, %max3A_97 : vector<16xf32>
    %select_n3A_125 = arith.select %eq3A_124, %broadcast_in_dim3A_18, %select_n3A_121 : vector<16xi1>, vector<16xi32>
    %eq3A_126 = arith.cmpi eq, %select_n3A_73, %broadcast_in_dim3A_16 : vector<16xi32>
    %select_n3A_127 = arith.select %eq3A_126, %broadcast_in_dim3A_10, %get3A_32 : vector<16xi1>, vector<16xf32>
    %eq3A_128 = arith.cmpf oeq, %select_n3A_127, %max3A_97 : vector<16xf32>
    %select_n3A_129 = arith.select %eq3A_128, %broadcast_in_dim3A_16, %select_n3A_125 : vector<16xi1>, vector<16xi32>
    %sub3A = arith.subf %max3A_97, %max3A_59 : vector<16xf32>
    %exp3A = math.exp %sub3A : vector<16xf32>
    %add3A_130 = arith.addf %broadcast_in_dim3A_14, %exp3A : vector<16xf32>
    %div3A = arith.divf %broadcast_in_dim3A_14, %add3A_130 : vector<16xf32>
    %sub3A_131 = arith.subf %broadcast_in_dim3A_14, %div3A : vector<16xf32>
    %eq3A_132 = arith.cmpi eq, %select_n3A_73, %broadcast_in_dim3A_16 : vector<16xi32>
    %select_n3A_133 = arith.select %eq3A_132, %div3A, %broadcast_in_dim3A_12 : vector<16xi1>, vector<16xf32>
    %eq3A_134 = arith.cmpi eq, %select_n3A_129, %broadcast_in_dim3A_16 : vector<16xi32>
    %select_n3A_135 = arith.select %eq3A_134, %sub3A_131, %broadcast_in_dim3A_12 : vector<16xi1>, vector<16xf32>
    %add3A_136 = arith.addf %select_n3A_133, %select_n3A_135 : vector<16xf32>
    %swap3A = arith.constant 0 : index
    %swap3A_137 = tpu.vector_load %arg5[%swap3A] {strides = array<i32>} : memref<512xf32, #tpu.memory_space<vmem>>, vector<16xf32>,
    %swap3A_138 = vector.shape_cast %swap3A_137 : vector<16xf32> to vector<16xf32>
    %swap3A_139 = vector.shape_cast %add3A_136 : vector<16xf32> to vector<16xf32>
    tpu.vector_store %arg5[%swap3A], %swap3A_139 {strides = array<i32>} : memref<512xf32, #tpu.memory_space<vmem>>, vector<16xf32>,
    %eq3A_140 = arith.cmpi eq, %select_n3A_73, %broadcast_in_dim3A_18 : vector<16xi32>
    %select_n3A_141 = arith.select %eq3A_140, %div3A, %broadcast_in_dim3A_12 : vector<16xi1>, vector<16xf32>
    %eq3A_142 = arith.cmpi eq, %select_n3A_129, %broadcast_in_dim3A_18 : vector<16xi32>
    %select_n3A_143 = arith.select %eq3A_142, %sub3A_131, %broadcast_in_dim3A_12 : vector<16xi1>, vector<16xf32>
    %add3A_144 = arith.addf %select_n3A_141, %select_n3A_143 : vector<16xf32>
    %swap3A_145 = arith.constant 64 : index
    %swap3A_146 = tpu.vector_load %arg5[%swap3A_145] {strides = array<i32>} : memref<512xf32, #tpu.memory_space<vmem>>, vector<16xf32>,
    %swap3A_147 = vector.shape_cast %swap3A_146 : vector<16xf32> to vector<16xf32>
    %swap3A_148 = vector.shape_cast %add3A_144 : vector<16xf32> to vector<16xf32>
    tpu.vector_store %arg5[%swap3A_145], %swap3A_148 {strides = array<i32>} : memref<512xf32, #tpu.memory_space<vmem>>, vector<16xf32>,
    %eq3A_149 = arith.cmpi eq, %select_n3A_73, %broadcast_in_dim3A_20 : vector<16xi32>
    %select_n3A_150 = arith.select %eq3A_149, %div3A, %broadcast_in_dim3A_12 : vector<16xi1>, vector<16xf32>
    %eq3A_151 = arith.cmpi eq, %select_n3A_129, %broadcast_in_dim3A_20 : vector<16xi32>
    %select_n3A_152 = arith.select %eq3A_151, %sub3A_131, %broadcast_in_dim3A_12 : vector<16xi1>, vector<16xf32>
    %add3A_153 = arith.addf %select_n3A_150, %select_n3A_152 : vector<16xf32>
    %swap3A_154 = arith.constant 128 : index
    %swap3A_155 = tpu.vector_load %arg5[%swap3A_154] {strides = array<i32>} : memref<512xf32, #tpu.memory_space<vmem>>, vector<16xf32>,
    %swap3A_156 = vector.shape_cast %swap3A_155 : vector<16xf32> to vector<16xf32>
    %swap3A_157 = vector.shape_cast %add3A_153 : vector<16xf32> to vector<16xf32>
    tpu.vector_store %arg5[%swap3A_154], %swap3A_157 {strides = array<i32>} : memref<512xf32, #tpu.memory_space<vmem>>, vector<16xf32>,
    %eq3A_158 = arith.cmpi eq, %select_n3A_73, %broadcast_in_dim3A_22 : vector<16xi32>
    %select_n3A_159 = arith.select %eq3A_158, %div3A, %broadcast_in_dim3A_12 : vector<16xi1>, vector<16xf32>
    %eq3A_160 = arith.cmpi eq, %select_n3A_129, %broadcast_in_dim3A_22 : vector<16xi32>
    %select_n3A_161 = arith.select %eq3A_160, %sub3A_131, %broadcast_in_dim3A_12 : vector<16xi1>, vector<16xf32>
    %add3A_162 = arith.addf %select_n3A_159, %select_n3A_161 : vector<16xf32>
    %swap3A_163 = arith.constant 192 : index
    %swap3A_164 = tpu.vector_load %arg5[%swap3A_163] {strides = array<i32>} : memref<512xf32, #tpu.memory_space<vmem>>, vector<16xf32>,
    %swap3A_165 = vector.shape_cast %swap3A_164 : vector<16xf32> to vector<16xf32>
    %swap3A_166 = vector.shape_cast %add3A_162 : vector<16xf32> to vector<16xf32>
    tpu.vector_store %arg5[%swap3A_163], %swap3A_166 {strides = array<i32>} : memref<512xf32, #tpu.memory_space<vmem>>, vector<16xf32>,
    %eq3A_167 = arith.cmpi eq, %select_n3A_73, %broadcast_in_dim3A_24 : vector<16xi32>
    %select_n3A_168 = arith.select %eq3A_167, %div3A, %broadcast_in_dim3A_12 : vector<16xi1>, vector<16xf32>
    %eq3A_169 = arith.cmpi eq, %select_n3A_129, %broadcast_in_dim3A_24 : vector<16xi32>
    %select_n3A_170 = arith.select %eq3A_169, %sub3A_131, %broadcast_in_dim3A_12 : vector<16xi1>, vector<16xf32>
    %add3A_171 = arith.addf %select_n3A_168, %select_n3A_170 : vector<16xf32>
    %swap3A_172 = arith.constant 256 : index
    %swap3A_173 = tpu.vector_load %arg5[%swap3A_172] {strides = array<i32>} : memref<512xf32, #tpu.memory_space<vmem>>, vector<16xf32>,
    %swap3A_174 = vector.shape_cast %swap3A_173 : vector<16xf32> to vector<16xf32>
    %swap3A_175 = vector.shape_cast %add3A_171 : vector<16xf32> to vector<16xf32>
    tpu.vector_store %arg5[%swap3A_172], %swap3A_175 {strides = array<i32>} : memref<512xf32, #tpu.memory_space<vmem>>, vector<16xf32>,
    %eq3A_176 = arith.cmpi eq, %select_n3A_73, %broadcast_in_dim3A_26 : vector<16xi32>
    %select_n3A_177 = arith.select %eq3A_176, %div3A, %broadcast_in_dim3A_12 : vector<16xi1>, vector<16xf32>
    %eq3A_178 = arith.cmpi eq, %select_n3A_129, %broadcast_in_dim3A_26 : vector<16xi32>
    %select_n3A_179 = arith.select %eq3A_178, %sub3A_131, %broadcast_in_dim3A_12 : vector<16xi1>, vector<16xf32>
    %add3A_180 = arith.addf %select_n3A_177, %select_n3A_179 : vector<16xf32>
    %swap3A_181 = arith.constant 320 : index
    %swap3A_182 = tpu.vector_load %arg5[%swap3A_181] {strides = array<i32>} : memref<512xf32, #tpu.memory_space<vmem>>, vector<16xf32>,
    %swap3A_183 = vector.shape_cast %swap3A_182 : vector<16xf32> to vector<16xf32>
    %swap3A_184 = vector.shape_cast %add3A_180 : vector<16xf32> to vector<16xf32>
    tpu.vector_store %arg5[%swap3A_181], %swap3A_184 {strides = array<i32>} : memref<512xf32, #tpu.memory_space<vmem>>, vector<16xf32>,
    %eq3A_185 = arith.cmpi eq, %select_n3A_73, %broadcast_in_dim3A_28 : vector<16xi32>
    %select_n3A_186 = arith.select %eq3A_185, %div3A, %broadcast_in_dim3A_12 : vector<16xi1>, vector<16xf32>
    %eq3A_187 = arith.cmpi eq, %select_n3A_129, %broadcast_in_dim3A_28 : vector<16xi32>
    %select_n3A_188 = arith.select %eq3A_187, %sub3A_131, %broadcast_in_dim3A_12 : vector<16xi1>, vector<16xf32>
    %add3A_189 = arith.addf %select_n3A_186, %select_n3A_188 : vector<16xf32>
    %swap3A_190 = arith.constant 384 : index
    %swap3A_191 = tpu.vector_load %arg5[%swap3A_190] {strides = array<i32>} : memref<512xf32, #tpu.memory_space<vmem>>, vector<16xf32>,
    %swap3A_192 = vector.shape_cast %swap3A_191 : vector<16xf32> to vector<16xf32>
    %swap3A_193 = vector.shape_cast %add3A_189 : vector<16xf32> to vector<16xf32>
    tpu.vector_store %arg5[%swap3A_190], %swap3A_193 {strides = array<i32>} : memref<512xf32, #tpu.memory_space<vmem>>, vector<16xf32>,
    %eq3A_194 = arith.cmpi eq, %select_n3A_73, %broadcast_in_dim3A_30 : vector<16xi32>
    %select_n3A_195 = arith.select %eq3A_194, %div3A, %broadcast_in_dim3A_12 : vector<16xi1>, vector<16xf32>
    %eq3A_196 = arith.cmpi eq, %select_n3A_129, %broadcast_in_dim3A_30 : vector<16xi32>
    %select_n3A_197 = arith.select %eq3A_196, %sub3A_131, %broadcast_in_dim3A_12 : vector<16xi1>, vector<16xf32>
    %add3A_198 = arith.addf %select_n3A_195, %select_n3A_197 : vector<16xf32>
    %swap3A_199 = arith.constant 448 : index
    %swap3A_200 = tpu.vector_load %arg5[%swap3A_199] {strides = array<i32>} : memref<512xf32, #tpu.memory_space<vmem>>, vector<16xf32>,
    %swap3A_201 = vector.shape_cast %swap3A_200 : vector<16xf32> to vector<16xf32>
    %swap3A_202 = vector.shape_cast %add3A_198 : vector<16xf32> to vector<16xf32>
    tpu.vector_store %arg5[%swap3A_199], %swap3A_202 {strides = array<i32>} : memref<512xf32, #tpu.memory_space<vmem>>, vector<16xf32>,
    %get3A_203 = arith.constant 16 : index
    %get3A_204 = tpu.vector_load %arg4[%get3A_203] {strides = array<i32>} : memref<512xf32, #tpu.memory_space<vmem>>, vector<16xf32>,
    %get3A_205 = vector.shape_cast %get3A_204 : vector<16xf32> to vector<16xf32>
    %get3A_206 = arith.constant 80 : index
    %get3A_207 = tpu.vector_load %arg4[%get3A_206] {strides = array<i32>} : memref<512xf32, #tpu.memory_space<vmem>>, vector<16xf32>,
    %get3A_208 = vector.shape_cast %get3A_207 : vector<16xf32> to vector<16xf32>
    %get3A_209 = arith.constant 144 : index
    %get3A_210 = tpu.vector_load %arg4[%get3A_209] {strides = array<i32>} : memref<512xf32, #tpu.memory_space<vmem>>, vector<16xf32>,
    %get3A_211 = vector.shape_cast %get3A_210 : vector<16xf32> to vector<16xf32>
    %get3A_212 = arith.constant 208 : index
    %get3A_213 = tpu.vector_load %arg4[%get3A_212] {strides = array<i32>} : memref<512xf32, #tpu.memory_space<vmem>>, vector<16xf32>,
    %get3A_214 = vector.shape_cast %get3A_213 : vector<16xf32> to vector<16xf32>
    %get3A_215 = arith.constant 272 : index
    %get3A_216 = tpu.vector_load %arg4[%get3A_215] {strides = array<i32>} : memref<512xf32, #tpu.memory_space<vmem>>, vector<16xf32>,
    %get3A_217 = vector.shape_cast %get3A_216 : vector<16xf32> to vector<16xf32>
    %get3A_218 = arith.constant 336 : index
    %get3A_219 = tpu.vector_load %arg4[%get3A_218] {strides = array<i32>} : memref<512xf32, #tpu.memory_space<vmem>>, vector<16xf32>,
    %get3A_220 = vector.shape_cast %get3A_219 : vector<16xf32> to vector<16xf32>
    %get3A_221 = arith.constant 400 : index
    %get3A_222 = tpu.vector_load %arg4[%get3A_221] {strides = array<i32>} : memref<512xf32, #tpu.memory_space<vmem>>, vector<16xf32>,
    %get3A_223 = vector.shape_cast %get3A_222 : vector<16xf32> to vector<16xf32>
    %get3A_224 = arith.constant 464 : index
    %get3A_225 = tpu.vector_load %arg4[%get3A_224] {strides = array<i32>} : memref<512xf32, #tpu.memory_space<vmem>>, vector<16xf32>,
    %get3A_226 = vector.shape_cast %get3A_225 : vector<16xf32> to vector<16xf32>
    %max3A_227 = arith.maximumf %get3A_205, %get3A_208 : vector<16xf32>
    %max3A_228 = arith.maximumf %max3A_227, %get3A_211 : vector<16xf32>
    %max3A_229 = arith.maximumf %max3A_228, %get3A_214 : vector<16xf32>
    %max3A_230 = arith.maximumf %max3A_229, %get3A_217 : vector<16xf32>
    %max3A_231 = arith.maximumf %max3A_230, %get3A_220 : vector<16xf32>
    %max3A_232 = arith.maximumf %max3A_231, %get3A_223 : vector<16xf32>
    %max3A_233 = arith.maximumf %max3A_232, %get3A_226 : vector<16xf32>
    %eq3A_234 = arith.cmpf oeq, %get3A_226, %max3A_233 : vector<16xf32>
    %select_n3A_235 = arith.select %eq3A_234, %broadcast_in_dim3A_30, %broadcast_in_dim3A_16 : vector<16xi1>, vector<16xi32>
    %eq3A_236 = arith.cmpf oeq, %get3A_223, %max3A_233 : vector<16xf32>
    %select_n3A_237 = arith.select %eq3A_236, %broadcast_in_dim3A_28, %select_n3A_235 : vector<16xi1>, vector<16xi32>
    %eq3A_238 = arith.cmpf oeq, %get3A_220, %max3A_233 : vector<16xf32>
    %select_n3A_239 = arith.select %eq3A_238, %broadcast_in_dim3A_26, %select_n3A_237 : vector<16xi1>, vector<16xi32>
    %eq3A_240 = arith.cmpf oeq, %get3A_217, %max3A_233 : vector<16xf32>
    %select_n3A_241 = arith.select %eq3A_240, %broadcast_in_dim3A_24, %select_n3A_239 : vector<16xi1>, vector<16xi32>
    %eq3A_242 = arith.cmpf oeq, %get3A_214, %max3A_233 : vector<16xf32>
    %select_n3A_243 = arith.select %eq3A_242, %broadcast_in_dim3A_22, %select_n3A_241 : vector<16xi1>, vector<16xi32>
    %eq3A_244 = arith.cmpf oeq, %get3A_211, %max3A_233 : vector<16xf32>
    %select_n3A_245 = arith.select %eq3A_244, %broadcast_in_dim3A_20, %select_n3A_243 : vector<16xi1>, vector<16xi32>
    %eq3A_246 = arith.cmpf oeq, %get3A_208, %max3A_233 : vector<16xf32>
    %select_n3A_247 = arith.select %eq3A_246, %broadcast_in_dim3A_18, %select_n3A_245 : vector<16xi1>, vector<16xi32>
    %eq3A_248 = arith.cmpf oeq, %get3A_205, %max3A_233 : vector<16xf32>
    %select_n3A_249 = arith.select %eq3A_248, %broadcast_in_dim3A_16, %select_n3A_247 : vector<16xi1>, vector<16xi32>
    %eq3A_250 = arith.cmpi eq, %select_n3A_249, %broadcast_in_dim3A_16 : vector<16xi32>
    %select_n3A_251 = arith.select %eq3A_250, %broadcast_in_dim3A_10, %get3A_205 : vector<16xi1>, vector<16xf32>
    %max3A_252 = arith.maximumf %broadcast_in_dim3A_10, %select_n3A_251 : vector<16xf32>
    %eq3A_253 = arith.cmpi eq, %select_n3A_249, %broadcast_in_dim3A_18 : vector<16xi32>
    %select_n3A_254 = arith.select %eq3A_253, %broadcast_in_dim3A_10, %get3A_208 : vector<16xi1>, vector<16xf32>
    %max3A_255 = arith.maximumf %max3A_252, %select_n3A_254 : vector<16xf32>
    %eq3A_256 = arith.cmpi eq, %select_n3A_249, %broadcast_in_dim3A_20 : vector<16xi32>
    %select_n3A_257 = arith.select %eq3A_256, %broadcast_in_dim3A_10, %get3A_211 : vector<16xi1>, vector<16xf32>
    %max3A_258 = arith.maximumf %max3A_255, %select_n3A_257 : vector<16xf32>
    %eq3A_259 = arith.cmpi eq, %select_n3A_249, %broadcast_in_dim3A_22 : vector<16xi32>
    %select_n3A_260 = arith.select %eq3A_259, %broadcast_in_dim3A_10, %get3A_214 : vector<16xi1>, vector<16xf32>
    %max3A_261 = arith.maximumf %max3A_258, %select_n3A_260 : vector<16xf32>
    %eq3A_262 = arith.cmpi eq, %select_n3A_249, %broadcast_in_dim3A_24 : vector<16xi32>
    %select_n3A_263 = arith.select %eq3A_262, %broadcast_in_dim3A_10, %get3A_217 : vector<16xi1>, vector<16xf32>
    %max3A_264 = arith.maximumf %max3A_261, %select_n3A_263 : vector<16xf32>
    %eq3A_265 = arith.cmpi eq, %select_n3A_249, %broadcast_in_dim3A_26 : vector<16xi32>
    %select_n3A_266 = arith.select %eq3A_265, %broadcast_in_dim3A_10, %get3A_220 : vector<16xi1>, vector<16xf32>
    %max3A_267 = arith.maximumf %max3A_264, %select_n3A_266 : vector<16xf32>
    %eq3A_268 = arith.cmpi eq, %select_n3A_249, %broadcast_in_dim3A_28 : vector<16xi32>
    %select_n3A_269 = arith.select %eq3A_268, %broadcast_in_dim3A_10, %get3A_223 : vector<16xi1>, vector<16xf32>
    %max3A_270 = arith.maximumf %max3A_267, %select_n3A_269 : vector<16xf32>
    %eq3A_271 = arith.cmpi eq, %select_n3A_249, %broadcast_in_dim3A_30 : vector<16xi32>
    %select_n3A_272 = arith.select %eq3A_271, %broadcast_in_dim3A_10, %get3A_226 : vector<16xi1>, vector<16xf32>
    %max3A_273 = arith.maximumf %max3A_270, %select_n3A_272 : vector<16xf32>
    %eq3A_274 = arith.cmpi eq, %select_n3A_249, %broadcast_in_dim3A_30 : vector<16xi32>
    %select_n3A_275 = arith.select %eq3A_274, %broadcast_in_dim3A_10, %get3A_226 : vector<16xi1>, vector<16xf32>
    %eq3A_276 = arith.cmpf oeq, %select_n3A_275, %max3A_273 : vector<16xf32>
    %select_n3A_277 = arith.select %eq3A_276, %broadcast_in_dim3A_30, %broadcast_in_dim3A_16 : vector<16xi1>, vector<16xi32>
    %eq3A_278 = arith.cmpi eq, %select_n3A_249, %broadcast_in_dim3A_28 : vector<16xi32>
    %select_n3A_279 = arith.select %eq3A_278, %broadcast_in_dim3A_10, %get3A_223 : vector<16xi1>, vector<16xf32>
    %eq3A_280 = arith.cmpf oeq, %select_n3A_279, %max3A_273 : vector<16xf32>
    %select_n3A_281 = arith.select %eq3A_280, %broadcast_in_dim3A_28, %select_n3A_277 : vector<16xi1>, vector<16xi32>
    %eq3A_282 = arith.cmpi eq, %select_n3A_249, %broadcast_in_dim3A_26 : vector<16xi32>
    %select_n3A_283 = arith.select %eq3A_282, %broadcast_in_dim3A_10, %get3A_220 : vector<16xi1>, vector<16xf32>
    %eq3A_284 = arith.cmpf oeq, %select_n3A_283, %max3A_273 : vector<16xf32>
    %select_n3A_285 = arith.select %eq3A_284, %broadcast_in_dim3A_26, %select_n3A_281 : vector<16xi1>, vector<16xi32>
    %eq3A_286 = arith.cmpi eq, %select_n3A_249, %broadcast_in_dim3A_24 : vector<16xi32>
    %select_n3A_287 = arith.select %eq3A_286, %broadcast_in_dim3A_10, %get3A_217 : vector<16xi1>, vector<16xf32>
    %eq3A_288 = arith.cmpf oeq, %select_n3A_287, %max3A_273 : vector<16xf32>
    %select_n3A_289 = arith.select %eq3A_288, %broadcast_in_dim3A_24, %select_n3A_285 : vector<16xi1>, vector<16xi32>
    %eq3A_290 = arith.cmpi eq, %select_n3A_249, %broadcast_in_dim3A_22 : vector<16xi32>
    %select_n3A_291 = arith.select %eq3A_290, %broadcast_in_dim3A_10, %get3A_214 : vector<16xi1>, vector<16xf32>
    %eq3A_292 = arith.cmpf oeq, %select_n3A_291, %max3A_273 : vector<16xf32>
    %select_n3A_293 = arith.select %eq3A_292, %broadcast_in_dim3A_22, %select_n3A_289 : vector<16xi1>, vector<16xi32>
    %eq3A_294 = arith.cmpi eq, %select_n3A_249, %broadcast_in_dim3A_20 : vector<16xi32>
    %select_n3A_295 = arith.select %eq3A_294, %broadcast_in_dim3A_10, %get3A_211 : vector<16xi1>, vector<16xf32>
    %eq3A_296 = arith.cmpf oeq, %select_n3A_295, %max3A_273 : vector<16xf32>
    %select_n3A_297 = arith.select %eq3A_296, %broadcast_in_dim3A_20, %select_n3A_293 : vector<16xi1>, vector<16xi32>
    %eq3A_298 = arith.cmpi eq, %select_n3A_249, %broadcast_in_dim3A_18 : vector<16xi32>
    %select_n3A_299 = arith.select %eq3A_298, %broadcast_in_dim3A_10, %get3A_208 : vector<16xi1>, vector<16xf32>
    %eq3A_300 = arith.cmpf oeq, %select_n3A_299, %max3A_273 : vector<16xf32>
    %select_n3A_301 = arith.select %eq3A_300, %broadcast_in_dim3A_18, %select_n3A_297 : vector<16xi1>, vector<16xi32>
    %eq3A_302 = arith.cmpi eq, %select_n3A_249, %broadcast_in_dim3A_16 : vector<16xi32>
    %select_n3A_303 = arith.select %eq3A_302, %broadcast_in_dim3A_10, %get3A_205 : vector<16xi1>, vector<16xf32>
    %eq3A_304 = arith.cmpf oeq, %select_n3A_303, %max3A_273 : vector<16xf32>
    %select_n3A_305 = arith.select %eq3A_304, %broadcast_in_dim3A_16, %select_n3A_301 : vector<16xi1>, vector<16xi32>
    %sub3A_306 = arith.subf %max3A_273, %max3A_233 : vector<16xf32>
    %exp3A_307 = math.exp %sub3A_306 : vector<16xf32>
    %add3A_308 = arith.addf %broadcast_in_dim3A_14, %exp3A_307 : vector<16xf32>
    %div3A_309 = arith.divf %broadcast_in_dim3A_14, %add3A_308 : vector<16xf32>
    %sub3A_310 = arith.subf %broadcast_in_dim3A_14, %div3A_309 : vector<16xf32>
    %eq3A_311 = arith.cmpi eq, %select_n3A_249, %broadcast_in_dim3A_16 : vector<16xi32>
    %select_n3A_312 = arith.select %eq3A_311, %div3A_309, %broadcast_in_dim3A_12 : vector<16xi1>, vector<16xf32>
    %eq3A_313 = arith.cmpi eq, %select_n3A_305, %broadcast_in_dim3A_16 : vector<16xi32>
    %select_n3A_314 = arith.select %eq3A_313, %sub3A_310, %broadcast_in_dim3A_12 : vector<16xi1>, vector<16xf32>
    %add3A_315 = arith.addf %select_n3A_312, %select_n3A_314 : vector<16xf32>
    %swap3A_316 = arith.constant 16 : index
    %swap3A_317 = tpu.vector_load %arg5[%swap3A_316] {strides = array<i32>} : memref<512xf32, #tpu.memory_space<vmem>>, vector<16xf32>,
    %swap3A_318 = vector.shape_cast %swap3A_317 : vector<16xf32> to vector<16xf32>
    %swap3A_319 = vector.shape_cast %add3A_315 : vector<16xf32> to vector<16xf32>
    tpu.vector_store %arg5[%swap3A_316], %swap3A_319 {strides = array<i32>} : memref<512xf32, #tpu.memory_space<vmem>>, vector<16xf32>,
    %eq3A_320 = arith.cmpi eq, %select_n3A_249, %broadcast_in_dim3A_18 : vector<16xi32>
    %select_n3A_321 = arith.select %eq3A_320, %div3A_309, %broadcast_in_dim3A_12 : vector<16xi1>, vector<16xf32>
    %eq3A_322 = arith.cmpi eq, %select_n3A_305, %broadcast_in_dim3A_18 : vector<16xi32>
    %select_n3A_323 = arith.select %eq3A_322, %sub3A_310, %broadcast_in_dim3A_12 : vector<16xi1>, vector<16xf32>
    %add3A_324 = arith.addf %select_n3A_321, %select_n3A_323 : vector<16xf32>
    %swap3A_325 = arith.constant 80 : index
    %swap3A_326 = tpu.vector_load %arg5[%swap3A_325] {strides = array<i32>} : memref<512xf32, #tpu.memory_space<vmem>>, vector<16xf32>,
    %swap3A_327 = vector.shape_cast %swap3A_326 : vector<16xf32> to vector<16xf32>
    %swap3A_328 = vector.shape_cast %add3A_324 : vector<16xf32> to vector<16xf32>
    tpu.vector_store %arg5[%swap3A_325], %swap3A_328 {strides = array<i32>} : memref<512xf32, #tpu.memory_space<vmem>>, vector<16xf32>,
    %eq3A_329 = arith.cmpi eq, %select_n3A_249, %broadcast_in_dim3A_20 : vector<16xi32>
    %select_n3A_330 = arith.select %eq3A_329, %div3A_309, %broadcast_in_dim3A_12 : vector<16xi1>, vector<16xf32>
    %eq3A_331 = arith.cmpi eq, %select_n3A_305, %broadcast_in_dim3A_20 : vector<16xi32>
    %select_n3A_332 = arith.select %eq3A_331, %sub3A_310, %broadcast_in_dim3A_12 : vector<16xi1>, vector<16xf32>
    %add3A_333 = arith.addf %select_n3A_330, %select_n3A_332 : vector<16xf32>
    %swap3A_334 = arith.constant 144 : index
    %swap3A_335 = tpu.vector_load %arg5[%swap3A_334] {strides = array<i32>} : memref<512xf32, #tpu.memory_space<vmem>>, vector<16xf32>,
    %swap3A_336 = vector.shape_cast %swap3A_335 : vector<16xf32> to vector<16xf32>
    %swap3A_337 = vector.shape_cast %add3A_333 : vector<16xf32> to vector<16xf32>
    tpu.vector_store %arg5[%swap3A_334], %swap3A_337 {strides = array<i32>} : memref<512xf32, #tpu.memory_space<vmem>>, vector<16xf32>,
    %eq3A_338 = arith.cmpi eq, %select_n3A_249, %broadcast_in_dim3A_22 : vector<16xi32>
    %select_n3A_339 = arith.select %eq3A_338, %div3A_309, %broadcast_in_dim3A_12 : vector<16xi1>, vector<16xf32>
    %eq3A_340 = arith.cmpi eq, %select_n3A_305, %broadcast_in_dim3A_22 : vector<16xi32>
    %select_n3A_341 = arith.select %eq3A_340, %sub3A_310, %broadcast_in_dim3A_12 : vector<16xi1>, vector<16xf32>
    %add3A_342 = arith.addf %select_n3A_339, %select_n3A_341 : vector<16xf32>
    %swap3A_343 = arith.constant 208 : index
    %swap3A_344 = tpu.vector_load %arg5[%swap3A_343] {strides = array<i32>} : memref<512xf32, #tpu.memory_space<vmem>>, vector<16xf32>,
    %swap3A_345 = vector.shape_cast %swap3A_344 : vector<16xf32> to vector<16xf32>
    %swap3A_346 = vector.shape_cast %add3A_342 : vector<16xf32> to vector<16xf32>
    tpu.vector_store %arg5[%swap3A_343], %swap3A_346 {strides = array<i32>} : memref<512xf32, #tpu.memory_space<vmem>>, vector<16xf32>,
    %eq3A_347 = arith.cmpi eq, %select_n3A_249, %broadcast_in_dim3A_24 : vector<16xi32>
    %select_n3A_348 = arith.select %eq3A_347, %div3A_309, %broadcast_in_dim3A_12 : vector<16xi1>, vector<16xf32>
    %eq3A_349 = arith.cmpi eq, %select_n3A_305, %broadcast_in_dim3A_24 : vector<16xi32>
    %select_n3A_350 = arith.select %eq3A_349, %sub3A_310, %broadcast_in_dim3A_12 : vector<16xi1>, vector<16xf32>
    %add3A_351 = arith.addf %select_n3A_348, %select_n3A_350 : vector<16xf32>
    %swap3A_352 = arith.constant 272 : index
    %swap3A_353 = tpu.vector_load %arg5[%swap3A_352] {strides = array<i32>} : memref<512xf32, #tpu.memory_space<vmem>>, vector<16xf32>,
    %swap3A_354 = vector.shape_cast %swap3A_353 : vector<16xf32> to vector<16xf32>
    %swap3A_355 = vector.shape_cast %add3A_351 : vector<16xf32> to vector<16xf32>
    tpu.vector_store %arg5[%swap3A_352], %swap3A_355 {strides = array<i32>} : memref<512xf32, #tpu.memory_space<vmem>>, vector<16xf32>,
    %eq3A_356 = arith.cmpi eq, %select_n3A_249, %broadcast_in_dim3A_26 : vector<16xi32>
    %select_n3A_357 = arith.select %eq3A_356, %div3A_309, %broadcast_in_dim3A_12 : vector<16xi1>, vector<16xf32>
    %eq3A_358 = arith.cmpi eq, %select_n3A_305, %broadcast_in_dim3A_26 : vector<16xi32>
    %select_n3A_359 = arith.select %eq3A_358, %sub3A_310, %broadcast_in_dim3A_12 : vector<16xi1>, vector<16xf32>
    %add3A_360 = arith.addf %select_n3A_357, %select_n3A_359 : vector<16xf32>
    %swap3A_361 = arith.constant 336 : index
    %swap3A_362 = tpu.vector_load %arg5[%swap3A_361] {strides = array<i32>} : memref<512xf32, #tpu.memory_space<vmem>>, vector<16xf32>,
    %swap3A_363 = vector.shape_cast %swap3A_362 : vector<16xf32> to vector<16xf32>
    %swap3A_364 = vector.shape_cast %add3A_360 : vector<16xf32> to vector<16xf32>
    tpu.vector_store %arg5[%swap3A_361], %swap3A_364 {strides = array<i32>} : memref<512xf32, #tpu.memory_space<vmem>>, vector<16xf32>,
    %eq3A_365 = arith.cmpi eq, %select_n3A_249, %broadcast_in_dim3A_28 : vector<16xi32>
    %select_n3A_366 = arith.select %eq3A_365, %div3A_309, %broadcast_in_dim3A_12 : vector<16xi1>, vector<16xf32>
    %eq3A_367 = arith.cmpi eq, %select_n3A_305, %broadcast_in_dim3A_28 : vector<16xi32>
    %select_n3A_368 = arith.select %eq3A_367, %sub3A_310, %broadcast_in_dim3A_12 : vector<16xi1>, vector<16xf32>
    %add3A_369 = arith.addf %select_n3A_366, %select_n3A_368 : vector<16xf32>
    %swap3A_370 = arith.constant 400 : index
    %swap3A_371 = tpu.vector_load %arg5[%swap3A_370] {strides = array<i32>} : memref<512xf32, #tpu.memory_space<vmem>>, vector<16xf32>,
    %swap3A_372 = vector.shape_cast %swap3A_371 : vector<16xf32> to vector<16xf32>
    %swap3A_373 = vector.shape_cast %add3A_369 : vector<16xf32> to vector<16xf32>
    tpu.vector_store %arg5[%swap3A_370], %swap3A_373 {strides = array<i32>} : memref<512xf32, #tpu.memory_space<vmem>>, vector<16xf32>,
    %eq3A_374 = arith.cmpi eq, %select_n3A_249, %broadcast_in_dim3A_30 : vector<16xi32>
    %select_n3A_375 = arith.select %eq3A_374, %div3A_309, %broadcast_in_dim3A_12 : vector<16xi1>, vector<16xf32>
    %eq3A_376 = arith.cmpi eq, %select_n3A_305, %broadcast_in_dim3A_30 : vector<16xi32>
    %select_n3A_377 = arith.select %eq3A_376, %sub3A_310, %broadcast_in_dim3A_12 : vector<16xi1>, vector<16xf32>
    %add3A_378 = arith.addf %select_n3A_375, %select_n3A_377 : vector<16xf32>
    %swap3A_379 = arith.constant 464 : index
    %swap3A_380 = tpu.vector_load %arg5[%swap3A_379] {strides = array<i32>} : memref<512xf32, #tpu.memory_space<vmem>>, vector<16xf32>,
    %swap3A_381 = vector.shape_cast %swap3A_380 : vector<16xf32> to vector<16xf32>
    %swap3A_382 = vector.shape_cast %add3A_378 : vector<16xf32> to vector<16xf32>
    tpu.vector_store %arg5[%swap3A_379], %swap3A_382 {strides = array<i32>} : memref<512xf32, #tpu.memory_space<vmem>>, vector<16xf32>,
    %get3A_383 = arith.constant 32 : index
    %get3A_384 = tpu.vector_load %arg4[%get3A_383] {strides = array<i32>} : memref<512xf32, #tpu.memory_space<vmem>>, vector<16xf32>,
    %get3A_385 = vector.shape_cast %get3A_384 : vector<16xf32> to vector<16xf32>
    %get3A_386 = arith.constant 96 : index
    %get3A_387 = tpu.vector_load %arg4[%get3A_386] {strides = array<i32>} : memref<512xf32, #tpu.memory_space<vmem>>, vector<16xf32>,
    %get3A_388 = vector.shape_cast %get3A_387 : vector<16xf32> to vector<16xf32>
    %get3A_389 = arith.constant 160 : index
    %get3A_390 = tpu.vector_load %arg4[%get3A_389] {strides = array<i32>} : memref<512xf32, #tpu.memory_space<vmem>>, vector<16xf32>,
    %get3A_391 = vector.shape_cast %get3A_390 : vector<16xf32> to vector<16xf32>
    %get3A_392 = arith.constant 224 : index
    %get3A_393 = tpu.vector_load %arg4[%get3A_392] {strides = array<i32>} : memref<512xf32, #tpu.memory_space<vmem>>, vector<16xf32>,
    %get3A_394 = vector.shape_cast %get3A_393 : vector<16xf32> to vector<16xf32>
    %get3A_395 = arith.constant 288 : index
    %get3A_396 = tpu.vector_load %arg4[%get3A_395] {strides = array<i32>} : memref<512xf32, #tpu.memory_space<vmem>>, vector<16xf32>,
    %get3A_397 = vector.shape_cast %get3A_396 : vector<16xf32> to vector<16xf32>
    %get3A_398 = arith.constant 352 : index
    %get3A_399 = tpu.vector_load %arg4[%get3A_398] {strides = array<i32>} : memref<512xf32, #tpu.memory_space<vmem>>, vector<16xf32>,
    %get3A_400 = vector.shape_cast %get3A_399 : vector<16xf32> to vector<16xf32>
    %get3A_401 = arith.constant 416 : index
    %get3A_402 = tpu.vector_load %arg4[%get3A_401] {strides = array<i32>} : memref<512xf32, #tpu.memory_space<vmem>>, vector<16xf32>,
    %get3A_403 = vector.shape_cast %get3A_402 : vector<16xf32> to vector<16xf32>
    %get3A_404 = arith.constant 480 : index
    %get3A_405 = tpu.vector_load %arg4[%get3A_404] {strides = array<i32>} : memref<512xf32, #tpu.memory_space<vmem>>, vector<16xf32>,
    %get3A_406 = vector.shape_cast %get3A_405 : vector<16xf32> to vector<16xf32>
    %max3A_407 = arith.maximumf %get3A_385, %get3A_388 : vector<16xf32>
    %max3A_408 = arith.maximumf %max3A_407, %get3A_391 : vector<16xf32>
    %max3A_409 = arith.maximumf %max3A_408, %get3A_394 : vector<16xf32>
    %max3A_410 = arith.maximumf %max3A_409, %get3A_397 : vector<16xf32>
    %max3A_411 = arith.maximumf %max3A_410, %get3A_400 : vector<16xf32>
    %max3A_412 = arith.maximumf %max3A_411, %get3A_403 : vector<16xf32>
    %max3A_413 = arith.maximumf %max3A_412, %get3A_406 : vector<16xf32>
    %eq3A_414 = arith.cmpf oeq, %get3A_406, %max3A_413 : vector<16xf32>
    %select_n3A_415 = arith.select %eq3A_414, %broadcast_in_dim3A_30, %broadcast_in_dim3A_16 : vector<16xi1>, vector<16xi32>
    %eq3A_416 = arith.cmpf oeq, %get3A_403, %max3A_413 : vector<16xf32>
    %select_n3A_417 = arith.select %eq3A_416, %broadcast_in_dim3A_28, %select_n3A_415 : vector<16xi1>, vector<16xi32>
    %eq3A_418 = arith.cmpf oeq, %get3A_400, %max3A_413 : vector<16xf32>
    %select_n3A_419 = arith.select %eq3A_418, %broadcast_in_dim3A_26, %select_n3A_417 : vector<16xi1>, vector<16xi32>
    %eq3A_420 = arith.cmpf oeq, %get3A_397, %max3A_413 : vector<16xf32>
    %select_n3A_421 = arith.select %eq3A_420, %broadcast_in_dim3A_24, %select_n3A_419 : vector<16xi1>, vector<16xi32>
    %eq3A_422 = arith.cmpf oeq, %get3A_394, %max3A_413 : vector<16xf32>
    %select_n3A_423 = arith.select %eq3A_422, %broadcast_in_dim3A_22, %select_n3A_421 : vector<16xi1>, vector<16xi32>
    %eq3A_424 = arith.cmpf oeq, %get3A_391, %max3A_413 : vector<16xf32>
    %select_n3A_425 = arith.select %eq3A_424, %broadcast_in_dim3A_20, %select_n3A_423 : vector<16xi1>, vector<16xi32>
    %eq3A_426 = arith.cmpf oeq, %get3A_388, %max3A_413 : vector<16xf32>
    %select_n3A_427 = arith.select %eq3A_426, %broadcast_in_dim3A_18, %select_n3A_425 : vector<16xi1>, vector<16xi32>
    %eq3A_428 = arith.cmpf oeq, %get3A_385, %max3A_413 : vector<16xf32>
    %select_n3A_429 = arith.select %eq3A_428, %broadcast_in_dim3A_16, %select_n3A_427 : vector<16xi1>, vector<16xi32>
    %eq3A_430 = arith.cmpi eq, %select_n3A_429, %broadcast_in_dim3A_16 : vector<16xi32>
    %select_n3A_431 = arith.select %eq3A_430, %broadcast_in_dim3A_10, %get3A_385 : vector<16xi1>, vector<16xf32>
    %max3A_432 = arith.maximumf %broadcast_in_dim3A_10, %select_n3A_431 : vector<16xf32>
    %eq3A_433 = arith.cmpi eq, %select_n3A_429, %broadcast_in_dim3A_18 : vector<16xi32>
    %select_n3A_434 = arith.select %eq3A_433, %broadcast_in_dim3A_10, %get3A_388 : vector<16xi1>, vector<16xf32>
    %max3A_435 = arith.maximumf %max3A_432, %select_n3A_434 : vector<16xf32>
    %eq3A_436 = arith.cmpi eq, %select_n3A_429, %broadcast_in_dim3A_20 : vector<16xi32>
    %select_n3A_437 = arith.select %eq3A_436, %broadcast_in_dim3A_10, %get3A_391 : vector<16xi1>, vector<16xf32>
    %max3A_438 = arith.maximumf %max3A_435, %select_n3A_437 : vector<16xf32>
    %eq3A_439 = arith.cmpi eq, %select_n3A_429, %broadcast_in_dim3A_22 : vector<16xi32>
    %select_n3A_440 = arith.select %eq3A_439, %broadcast_in_dim3A_10, %get3A_394 : vector<16xi1>, vector<16xf32>
    %max3A_441 = arith.maximumf %max3A_438, %select_n3A_440 : vector<16xf32>
    %eq3A_442 = arith.cmpi eq, %select_n3A_429, %broadcast_in_dim3A_24 : vector<16xi32>
    %select_n3A_443 = arith.select %eq3A_442, %broadcast_in_dim3A_10, %get3A_397 : vector<16xi1>, vector<16xf32>
    %max3A_444 = arith.maximumf %max3A_441, %select_n3A_443 : vector<16xf32>
    %eq3A_445 = arith.cmpi eq, %select_n3A_429, %broadcast_in_dim3A_26 : vector<16xi32>
    %select_n3A_446 = arith.select %eq3A_445, %broadcast_in_dim3A_10, %get3A_400 : vector<16xi1>, vector<16xf32>
    %max3A_447 = arith.maximumf %max3A_444, %select_n3A_446 : vector<16xf32>
    %eq3A_448 = arith.cmpi eq, %select_n3A_429, %broadcast_in_dim3A_28 : vector<16xi32>
    %select_n3A_449 = arith.select %eq3A_448, %broadcast_in_dim3A_10, %get3A_403 : vector<16xi1>, vector<16xf32>
    %max3A_450 = arith.maximumf %max3A_447, %select_n3A_449 : vector<16xf32>
    %eq3A_451 = arith.cmpi eq, %select_n3A_429, %broadcast_in_dim3A_30 : vector<16xi32>
    %select_n3A_452 = arith.select %eq3A_451, %broadcast_in_dim3A_10, %get3A_406 : vector<16xi1>, vector<16xf32>
    %max3A_453 = arith.maximumf %max3A_450, %select_n3A_452 : vector<16xf32>
    %eq3A_454 = arith.cmpi eq, %select_n3A_429, %broadcast_in_dim3A_30 : vector<16xi32>
    %select_n3A_455 = arith.select %eq3A_454, %broadcast_in_dim3A_10, %get3A_406 : vector<16xi1>, vector<16xf32>
    %eq3A_456 = arith.cmpf oeq, %select_n3A_455, %max3A_453 : vector<16xf32>
    %select_n3A_457 = arith.select %eq3A_456, %broadcast_in_dim3A_30, %broadcast_in_dim3A_16 : vector<16xi1>, vector<16xi32>
    %eq3A_458 = arith.cmpi eq, %select_n3A_429, %broadcast_in_dim3A_28 : vector<16xi32>
    %select_n3A_459 = arith.select %eq3A_458, %broadcast_in_dim3A_10, %get3A_403 : vector<16xi1>, vector<16xf32>
    %eq3A_460 = arith.cmpf oeq, %select_n3A_459, %max3A_453 : vector<16xf32>
    %select_n3A_461 = arith.select %eq3A_460, %broadcast_in_dim3A_28, %select_n3A_457 : vector<16xi1>, vector<16xi32>
    %eq3A_462 = arith.cmpi eq, %select_n3A_429, %broadcast_in_dim3A_26 : vector<16xi32>
    %select_n3A_463 = arith.select %eq3A_462, %broadcast_in_dim3A_10, %get3A_400 : vector<16xi1>, vector<16xf32>
    %eq3A_464 = arith.cmpf oeq, %select_n3A_463, %max3A_453 : vector<16xf32>
    %select_n3A_465 = arith.select %eq3A_464, %broadcast_in_dim3A_26, %select_n3A_461 : vector<16xi1>, vector<16xi32>
    %eq3A_466 = arith.cmpi eq, %select_n3A_429, %broadcast_in_dim3A_24 : vector<16xi32>
    %select_n3A_467 = arith.select %eq3A_466, %broadcast_in_dim3A_10, %get3A_397 : vector<16xi1>, vector<16xf32>
    %eq3A_468 = arith.cmpf oeq, %select_n3A_467, %max3A_453 : vector<16xf32>
    %select_n3A_469 = arith.select %eq3A_468, %broadcast_in_dim3A_24, %select_n3A_465 : vector<16xi1>, vector<16xi32>
    %eq3A_470 = arith.cmpi eq, %select_n3A_429, %broadcast_in_dim3A_22 : vector<16xi32>
    %select_n3A_471 = arith.select %eq3A_470, %broadcast_in_dim3A_10, %get3A_394 : vector<16xi1>, vector<16xf32>
    %eq3A_472 = arith.cmpf oeq, %select_n3A_471, %max3A_453 : vector<16xf32>
    %select_n3A_473 = arith.select %eq3A_472, %broadcast_in_dim3A_22, %select_n3A_469 : vector<16xi1>, vector<16xi32>
    %eq3A_474 = arith.cmpi eq, %select_n3A_429, %broadcast_in_dim3A_20 : vector<16xi32>
    %select_n3A_475 = arith.select %eq3A_474, %broadcast_in_dim3A_10, %get3A_391 : vector<16xi1>, vector<16xf32>
    %eq3A_476 = arith.cmpf oeq, %select_n3A_475, %max3A_453 : vector<16xf32>
    %select_n3A_477 = arith.select %eq3A_476, %broadcast_in_dim3A_20, %select_n3A_473 : vector<16xi1>, vector<16xi32>
    %eq3A_478 = arith.cmpi eq, %select_n3A_429, %broadcast_in_dim3A_18 : vector<16xi32>
    %select_n3A_479 = arith.select %eq3A_478, %broadcast_in_dim3A_10, %get3A_388 : vector<16xi1>, vector<16xf32>
    %eq3A_480 = arith.cmpf oeq, %select_n3A_479, %max3A_453 : vector<16xf32>
    %select_n3A_481 = arith.select %eq3A_480, %broadcast_in_dim3A_18, %select_n3A_477 : vector<16xi1>, vector<16xi32>
    %eq3A_482 = arith.cmpi eq, %select_n3A_429, %broadcast_in_dim3A_16 : vector<16xi32>
    %select_n3A_483 = arith.select %eq3A_482, %broadcast_in_dim3A_10, %get3A_385 : vector<16xi1>, vector<16xf32>
    %eq3A_484 = arith.cmpf oeq, %select_n3A_483, %max3A_453 : vector<16xf32>
    %select_n3A_485 = arith.select %eq3A_484, %broadcast_in_dim3A_16, %select_n3A_481 : vector<16xi1>, vector<16xi32>
    %sub3A_486 = arith.subf %max3A_453, %max3A_413 : vector<16xf32>
    %exp3A_487 = math.exp %sub3A_486 : vector<16xf32>
    %add3A_488 = arith.addf %broadcast_in_dim3A_14, %exp3A_487 : vector<16xf32>
    %div3A_489 = arith.divf %broadcast_in_dim3A_14, %add3A_488 : vector<16xf32>
    %sub3A_490 = arith.subf %broadcast_in_dim3A_14, %div3A_489 : vector<16xf32>
    %eq3A_491 = arith.cmpi eq, %select_n3A_429, %broadcast_in_dim3A_16 : vector<16xi32>
    %select_n3A_492 = arith.select %eq3A_491, %div3A_489, %broadcast_in_dim3A_12 : vector<16xi1>, vector<16xf32>
    %eq3A_493 = arith.cmpi eq, %select_n3A_485, %broadcast_in_dim3A_16 : vector<16xi32>
    %select_n3A_494 = arith.select %eq3A_493, %sub3A_490, %broadcast_in_dim3A_12 : vector<16xi1>, vector<16xf32>
    %add3A_495 = arith.addf %select_n3A_492, %select_n3A_494 : vector<16xf32>
    %swap3A_496 = arith.constant 32 : index
    %swap3A_497 = tpu.vector_load %arg5[%swap3A_496] {strides = array<i32>} : memref<512xf32, #tpu.memory_space<vmem>>, vector<16xf32>,
    %swap3A_498 = vector.shape_cast %swap3A_497 : vector<16xf32> to vector<16xf32>
    %swap3A_499 = vector.shape_cast %add3A_495 : vector<16xf32> to vector<16xf32>
    tpu.vector_store %arg5[%swap3A_496], %swap3A_499 {strides = array<i32>} : memref<512xf32, #tpu.memory_space<vmem>>, vector<16xf32>,
    %eq3A_500 = arith.cmpi eq, %select_n3A_429, %broadcast_in_dim3A_18 : vector<16xi32>
    %select_n3A_501 = arith.select %eq3A_500, %div3A_489, %broadcast_in_dim3A_12 : vector<16xi1>, vector<16xf32>
    %eq3A_502 = arith.cmpi eq, %select_n3A_485, %broadcast_in_dim3A_18 : vector<16xi32>
    %select_n3A_503 = arith.select %eq3A_502, %sub3A_490, %broadcast_in_dim3A_12 : vector<16xi1>, vector<16xf32>
    %add3A_504 = arith.addf %select_n3A_501, %select_n3A_503 : vector<16xf32>
    %swap3A_505 = arith.constant 96 : index
    %swap3A_506 = tpu.vector_load %arg5[%swap3A_505] {strides = array<i32>} : memref<512xf32, #tpu.memory_space<vmem>>, vector<16xf32>,
    %swap3A_507 = vector.shape_cast %swap3A_506 : vector<16xf32> to vector<16xf32>
    %swap3A_508 = vector.shape_cast %add3A_504 : vector<16xf32> to vector<16xf32>
    tpu.vector_store %arg5[%swap3A_505], %swap3A_508 {strides = array<i32>} : memref<512xf32, #tpu.memory_space<vmem>>, vector<16xf32>,
    %eq3A_509 = arith.cmpi eq, %select_n3A_429, %broadcast_in_dim3A_20 : vector<16xi32>
    %select_n3A_510 = arith.select %eq3A_509, %div3A_489, %broadcast_in_dim3A_12 : vector<16xi1>, vector<16xf32>
    %eq3A_511 = arith.cmpi eq, %select_n3A_485, %broadcast_in_dim3A_20 : vector<16xi32>
    %select_n3A_512 = arith.select %eq3A_511, %sub3A_490, %broadcast_in_dim3A_12 : vector<16xi1>, vector<16xf32>
    %add3A_513 = arith.addf %select_n3A_510, %select_n3A_512 : vector<16xf32>
    %swap3A_514 = arith.constant 160 : index
    %swap3A_515 = tpu.vector_load %arg5[%swap3A_514] {strides = array<i32>} : memref<512xf32, #tpu.memory_space<vmem>>, vector<16xf32>,
    %swap3A_516 = vector.shape_cast %swap3A_515 : vector<16xf32> to vector<16xf32>
    %swap3A_517 = vector.shape_cast %add3A_513 : vector<16xf32> to vector<16xf32>
    tpu.vector_store %arg5[%swap3A_514], %swap3A_517 {strides = array<i32>} : memref<512xf32, #tpu.memory_space<vmem>>, vector<16xf32>,
    %eq3A_518 = arith.cmpi eq, %select_n3A_429, %broadcast_in_dim3A_22 : vector<16xi32>
    %select_n3A_519 = arith.select %eq3A_518, %div3A_489, %broadcast_in_dim3A_12 : vector<16xi1>, vector<16xf32>
    %eq3A_520 = arith.cmpi eq, %select_n3A_485, %broadcast_in_dim3A_22 : vector<16xi32>
    %select_n3A_521 = arith.select %eq3A_520, %sub3A_490, %broadcast_in_dim3A_12 : vector<16xi1>, vector<16xf32>
    %add3A_522 = arith.addf %select_n3A_519, %select_n3A_521 : vector<16xf32>
    %swap3A_523 = arith.constant 224 : index
    %swap3A_524 = tpu.vector_load %arg5[%swap3A_523] {strides = array<i32>} : memref<512xf32, #tpu.memory_space<vmem>>, vector<16xf32>,
    %swap3A_525 = vector.shape_cast %swap3A_524 : vector<16xf32> to vector<16xf32>
    %swap3A_526 = vector.shape_cast %add3A_522 : vector<16xf32> to vector<16xf32>
    tpu.vector_store %arg5[%swap3A_523], %swap3A_526 {strides = array<i32>} : memref<512xf32, #tpu.memory_space<vmem>>, vector<16xf32>,
    %eq3A_527 = arith.cmpi eq, %select_n3A_429, %broadcast_in_dim3A_24 : vector<16xi32>
    %select_n3A_528 = arith.select %eq3A_527, %div3A_489, %broadcast_in_dim3A_12 : vector<16xi1>, vector<16xf32>
    %eq3A_529 = arith.cmpi eq, %select_n3A_485, %broadcast_in_dim3A_24 : vector<16xi32>
    %select_n3A_530 = arith.select %eq3A_529, %sub3A_490, %broadcast_in_dim3A_12 : vector<16xi1>, vector<16xf32>
    %add3A_531 = arith.addf %select_n3A_528, %select_n3A_530 : vector<16xf32>
    %swap3A_532 = arith.constant 288 : index
    %swap3A_533 = tpu.vector_load %arg5[%swap3A_532] {strides = array<i32>} : memref<512xf32, #tpu.memory_space<vmem>>, vector<16xf32>,
    %swap3A_534 = vector.shape_cast %swap3A_533 : vector<16xf32> to vector<16xf32>
    %swap3A_535 = vector.shape_cast %add3A_531 : vector<16xf32> to vector<16xf32>
    tpu.vector_store %arg5[%swap3A_532], %swap3A_535 {strides = array<i32>} : memref<512xf32, #tpu.memory_space<vmem>>, vector<16xf32>,
    %eq3A_536 = arith.cmpi eq, %select_n3A_429, %broadcast_in_dim3A_26 : vector<16xi32>
    %select_n3A_537 = arith.select %eq3A_536, %div3A_489, %broadcast_in_dim3A_12 : vector<16xi1>, vector<16xf32>
    %eq3A_538 = arith.cmpi eq, %select_n3A_485, %broadcast_in_dim3A_26 : vector<16xi32>
    %select_n3A_539 = arith.select %eq3A_538, %sub3A_490, %broadcast_in_dim3A_12 : vector<16xi1>, vector<16xf32>
    %add3A_540 = arith.addf %select_n3A_537, %select_n3A_539 : vector<16xf32>
    %swap3A_541 = arith.constant 352 : index
    %swap3A_542 = tpu.vector_load %arg5[%swap3A_541] {strides = array<i32>} : memref<512xf32, #tpu.memory_space<vmem>>, vector<16xf32>,
    %swap3A_543 = vector.shape_cast %swap3A_542 : vector<16xf32> to vector<16xf32>
    %swap3A_544 = vector.shape_cast %add3A_540 : vector<16xf32> to vector<16xf32>
    tpu.vector_store %arg5[%swap3A_541], %swap3A_544 {strides = array<i32>} : memref<512xf32, #tpu.memory_space<vmem>>, vector<16xf32>,
    %eq3A_545 = arith.cmpi eq, %select_n3A_429, %broadcast_in_dim3A_28 : vector<16xi32>
    %select_n3A_546 = arith.select %eq3A_545, %div3A_489, %broadcast_in_dim3A_12 : vector<16xi1>, vector<16xf32>
    %eq3A_547 = arith.cmpi eq, %select_n3A_485, %broadcast_in_dim3A_28 : vector<16xi32>
    %select_n3A_548 = arith.select %eq3A_547, %sub3A_490, %broadcast_in_dim3A_12 : vector<16xi1>, vector<16xf32>
    %add3A_549 = arith.addf %select_n3A_546, %select_n3A_548 : vector<16xf32>
    %swap3A_550 = arith.constant 416 : index
    %swap3A_551 = tpu.vector_load %arg5[%swap3A_550] {strides = array<i32>} : memref<512xf32, #tpu.memory_space<vmem>>, vector<16xf32>,
    %swap3A_552 = vector.shape_cast %swap3A_551 : vector<16xf32> to vector<16xf32>
    %swap3A_553 = vector.shape_cast %add3A_549 : vector<16xf32> to vector<16xf32>
    tpu.vector_store %arg5[%swap3A_550], %swap3A_553 {strides = array<i32>} : memref<512xf32, #tpu.memory_space<vmem>>, vector<16xf32>,
    %eq3A_554 = arith.cmpi eq, %select_n3A_429, %broadcast_in_dim3A_30 : vector<16xi32>
    %select_n3A_555 = arith.select %eq3A_554, %div3A_489, %broadcast_in_dim3A_12 : vector<16xi1>, vector<16xf32>
    %eq3A_556 = arith.cmpi eq, %select_n3A_485, %broadcast_in_dim3A_30 : vector<16xi32>
    %select_n3A_557 = arith.select %eq3A_556, %sub3A_490, %broadcast_in_dim3A_12 : vector<16xi1>, vector<16xf32>
    %add3A_558 = arith.addf %select_n3A_555, %select_n3A_557 : vector<16xf32>
    %swap3A_559 = arith.constant 480 : index
    %swap3A_560 = tpu.vector_load %arg5[%swap3A_559] {strides = array<i32>} : memref<512xf32, #tpu.memory_space<vmem>>, vector<16xf32>,
    %swap3A_561 = vector.shape_cast %swap3A_560 : vector<16xf32> to vector<16xf32>
    %swap3A_562 = vector.shape_cast %add3A_558 : vector<16xf32> to vector<16xf32>
    tpu.vector_store %arg5[%swap3A_559], %swap3A_562 {strides = array<i32>} : memref<512xf32, #tpu.memory_space<vmem>>, vector<16xf32>,
    %get3A_563 = arith.constant 48 : index
    %get3A_564 = tpu.vector_load %arg4[%get3A_563] {strides = array<i32>} : memref<512xf32, #tpu.memory_space<vmem>>, vector<16xf32>,
    %get3A_565 = vector.shape_cast %get3A_564 : vector<16xf32> to vector<16xf32>
    %get3A_566 = arith.constant 112 : index
    %get3A_567 = tpu.vector_load %arg4[%get3A_566] {strides = array<i32>} : memref<512xf32, #tpu.memory_space<vmem>>, vector<16xf32>,
    %get3A_568 = vector.shape_cast %get3A_567 : vector<16xf32> to vector<16xf32>
    %get3A_569 = arith.constant 176 : index
    %get3A_570 = tpu.vector_load %arg4[%get3A_569] {strides = array<i32>} : memref<512xf32, #tpu.memory_space<vmem>>, vector<16xf32>,
    %get3A_571 = vector.shape_cast %get3A_570 : vector<16xf32> to vector<16xf32>
    %get3A_572 = arith.constant 240 : index
    %get3A_573 = tpu.vector_load %arg4[%get3A_572] {strides = array<i32>} : memref<512xf32, #tpu.memory_space<vmem>>, vector<16xf32>,
    %get3A_574 = vector.shape_cast %get3A_573 : vector<16xf32> to vector<16xf32>
    %get3A_575 = arith.constant 304 : index
    %get3A_576 = tpu.vector_load %arg4[%get3A_575] {strides = array<i32>} : memref<512xf32, #tpu.memory_space<vmem>>, vector<16xf32>,
    %get3A_577 = vector.shape_cast %get3A_576 : vector<16xf32> to vector<16xf32>
    %get3A_578 = arith.constant 368 : index
    %get3A_579 = tpu.vector_load %arg4[%get3A_578] {strides = array<i32>} : memref<512xf32, #tpu.memory_space<vmem>>, vector<16xf32>,
    %get3A_580 = vector.shape_cast %get3A_579 : vector<16xf32> to vector<16xf32>
    %get3A_581 = arith.constant 432 : index
    %get3A_582 = tpu.vector_load %arg4[%get3A_581] {strides = array<i32>} : memref<512xf32, #tpu.memory_space<vmem>>, vector<16xf32>,
    %get3A_583 = vector.shape_cast %get3A_582 : vector<16xf32> to vector<16xf32>
    %get3A_584 = arith.constant 496 : index
    %get3A_585 = tpu.vector_load %arg4[%get3A_584] {strides = array<i32>} : memref<512xf32, #tpu.memory_space<vmem>>, vector<16xf32>,
    %get3A_586 = vector.shape_cast %get3A_585 : vector<16xf32> to vector<16xf32>
    %max3A_587 = arith.maximumf %get3A_565, %get3A_568 : vector<16xf32>
    %max3A_588 = arith.maximumf %max3A_587, %get3A_571 : vector<16xf32>
    %max3A_589 = arith.maximumf %max3A_588, %get3A_574 : vector<16xf32>
    %max3A_590 = arith.maximumf %max3A_589, %get3A_577 : vector<16xf32>
    %max3A_591 = arith.maximumf %max3A_590, %get3A_580 : vector<16xf32>
    %max3A_592 = arith.maximumf %max3A_591, %get3A_583 : vector<16xf32>
    %max3A_593 = arith.maximumf %max3A_592, %get3A_586 : vector<16xf32>
    %eq3A_594 = arith.cmpf oeq, %get3A_586, %max3A_593 : vector<16xf32>
    %select_n3A_595 = arith.select %eq3A_594, %broadcast_in_dim3A_30, %broadcast_in_dim3A_16 : vector<16xi1>, vector<16xi32>
    %eq3A_596 = arith.cmpf oeq, %get3A_583, %max3A_593 : vector<16xf32>
    %select_n3A_597 = arith.select %eq3A_596, %broadcast_in_dim3A_28, %select_n3A_595 : vector<16xi1>, vector<16xi32>
    %eq3A_598 = arith.cmpf oeq, %get3A_580, %max3A_593 : vector<16xf32>
    %select_n3A_599 = arith.select %eq3A_598, %broadcast_in_dim3A_26, %select_n3A_597 : vector<16xi1>, vector<16xi32>
    %eq3A_600 = arith.cmpf oeq, %get3A_577, %max3A_593 : vector<16xf32>
    %select_n3A_601 = arith.select %eq3A_600, %broadcast_in_dim3A_24, %select_n3A_599 : vector<16xi1>, vector<16xi32>
    %eq3A_602 = arith.cmpf oeq, %get3A_574, %max3A_593 : vector<16xf32>
    %select_n3A_603 = arith.select %eq3A_602, %broadcast_in_dim3A_22, %select_n3A_601 : vector<16xi1>, vector<16xi32>
    %eq3A_604 = arith.cmpf oeq, %get3A_571, %max3A_593 : vector<16xf32>
    %select_n3A_605 = arith.select %eq3A_604, %broadcast_in_dim3A_20, %select_n3A_603 : vector<16xi1>, vector<16xi32>
    %eq3A_606 = arith.cmpf oeq, %get3A_568, %max3A_593 : vector<16xf32>
    %select_n3A_607 = arith.select %eq3A_606, %broadcast_in_dim3A_18, %select_n3A_605 : vector<16xi1>, vector<16xi32>
    %eq3A_608 = arith.cmpf oeq, %get3A_565, %max3A_593 : vector<16xf32>
    %select_n3A_609 = arith.select %eq3A_608, %broadcast_in_dim3A_16, %select_n3A_607 : vector<16xi1>, vector<16xi32>
    %eq3A_610 = arith.cmpi eq, %select_n3A_609, %broadcast_in_dim3A_16 : vector<16xi32>
    %select_n3A_611 = arith.select %eq3A_610, %broadcast_in_dim3A_10, %get3A_565 : vector<16xi1>, vector<16xf32>
    %max3A_612 = arith.maximumf %broadcast_in_dim3A_10, %select_n3A_611 : vector<16xf32>
    %eq3A_613 = arith.cmpi eq, %select_n3A_609, %broadcast_in_dim3A_18 : vector<16xi32>
    %select_n3A_614 = arith.select %eq3A_613, %broadcast_in_dim3A_10, %get3A_568 : vector<16xi1>, vector<16xf32>
    %max3A_615 = arith.maximumf %max3A_612, %select_n3A_614 : vector<16xf32>
    %eq3A_616 = arith.cmpi eq, %select_n3A_609, %broadcast_in_dim3A_20 : vector<16xi32>
    %select_n3A_617 = arith.select %eq3A_616, %broadcast_in_dim3A_10, %get3A_571 : vector<16xi1>, vector<16xf32>
    %max3A_618 = arith.maximumf %max3A_615, %select_n3A_617 : vector<16xf32>
    %eq3A_619 = arith.cmpi eq, %select_n3A_609, %broadcast_in_dim3A_22 : vector<16xi32>
    %select_n3A_620 = arith.select %eq3A_619, %broadcast_in_dim3A_10, %get3A_574 : vector<16xi1>, vector<16xf32>
    %max3A_621 = arith.maximumf %max3A_618, %select_n3A_620 : vector<16xf32>
    %eq3A_622 = arith.cmpi eq, %select_n3A_609, %broadcast_in_dim3A_24 : vector<16xi32>
    %select_n3A_623 = arith.select %eq3A_622, %broadcast_in_dim3A_10, %get3A_577 : vector<16xi1>, vector<16xf32>
    %max3A_624 = arith.maximumf %max3A_621, %select_n3A_623 : vector<16xf32>
    %eq3A_625 = arith.cmpi eq, %select_n3A_609, %broadcast_in_dim3A_26 : vector<16xi32>
    %select_n3A_626 = arith.select %eq3A_625, %broadcast_in_dim3A_10, %get3A_580 : vector<16xi1>, vector<16xf32>
    %max3A_627 = arith.maximumf %max3A_624, %select_n3A_626 : vector<16xf32>
    %eq3A_628 = arith.cmpi eq, %select_n3A_609, %broadcast_in_dim3A_28 : vector<16xi32>
    %select_n3A_629 = arith.select %eq3A_628, %broadcast_in_dim3A_10, %get3A_583 : vector<16xi1>, vector<16xf32>
    %max3A_630 = arith.maximumf %max3A_627, %select_n3A_629 : vector<16xf32>
    %eq3A_631 = arith.cmpi eq, %select_n3A_609, %broadcast_in_dim3A_30 : vector<16xi32>
    %select_n3A_632 = arith.select %eq3A_631, %broadcast_in_dim3A_10, %get3A_586 : vector<16xi1>, vector<16xf32>
    %max3A_633 = arith.maximumf %max3A_630, %select_n3A_632 : vector<16xf32>
    %eq3A_634 = arith.cmpi eq, %select_n3A_609, %broadcast_in_dim3A_30 : vector<16xi32>
    %select_n3A_635 = arith.select %eq3A_634, %broadcast_in_dim3A_10, %get3A_586 : vector<16xi1>, vector<16xf32>
    %eq3A_636 = arith.cmpf oeq, %select_n3A_635, %max3A_633 : vector<16xf32>
    %select_n3A_637 = arith.select %eq3A_636, %broadcast_in_dim3A_30, %broadcast_in_dim3A_16 : vector<16xi1>, vector<16xi32>
    %eq3A_638 = arith.cmpi eq, %select_n3A_609, %broadcast_in_dim3A_28 : vector<16xi32>
    %select_n3A_639 = arith.select %eq3A_638, %broadcast_in_dim3A_10, %get3A_583 : vector<16xi1>, vector<16xf32>
    %eq3A_640 = arith.cmpf oeq, %select_n3A_639, %max3A_633 : vector<16xf32>
    %select_n3A_641 = arith.select %eq3A_640, %broadcast_in_dim3A_28, %select_n3A_637 : vector<16xi1>, vector<16xi32>
    %eq3A_642 = arith.cmpi eq, %select_n3A_609, %broadcast_in_dim3A_26 : vector<16xi32>
    %select_n3A_643 = arith.select %eq3A_642, %broadcast_in_dim3A_10, %get3A_580 : vector<16xi1>, vector<16xf32>
    %eq3A_644 = arith.cmpf oeq, %select_n3A_643, %max3A_633 : vector<16xf32>
    %select_n3A_645 = arith.select %eq3A_644, %broadcast_in_dim3A_26, %select_n3A_641 : vector<16xi1>, vector<16xi32>
    %eq3A_646 = arith.cmpi eq, %select_n3A_609, %broadcast_in_dim3A_24 : vector<16xi32>
    %select_n3A_647 = arith.select %eq3A_646, %broadcast_in_dim3A_10, %get3A_577 : vector<16xi1>, vector<16xf32>
    %eq3A_648 = arith.cmpf oeq, %select_n3A_647, %max3A_633 : vector<16xf32>
    %select_n3A_649 = arith.select %eq3A_648, %broadcast_in_dim3A_24, %select_n3A_645 : vector<16xi1>, vector<16xi32>
    %eq3A_650 = arith.cmpi eq, %select_n3A_609, %broadcast_in_dim3A_22 : vector<16xi32>
    %select_n3A_651 = arith.select %eq3A_650, %broadcast_in_dim3A_10, %get3A_574 : vector<16xi1>, vector<16xf32>
    %eq3A_652 = arith.cmpf oeq, %select_n3A_651, %max3A_633 : vector<16xf32>
    %select_n3A_653 = arith.select %eq3A_652, %broadcast_in_dim3A_22, %select_n3A_649 : vector<16xi1>, vector<16xi32>
    %eq3A_654 = arith.cmpi eq, %select_n3A_609, %broadcast_in_dim3A_20 : vector<16xi32>
    %select_n3A_655 = arith.select %eq3A_654, %broadcast_in_dim3A_10, %get3A_571 : vector<16xi1>, vector<16xf32>
    %eq3A_656 = arith.cmpf oeq, %select_n3A_655, %max3A_633 : vector<16xf32>
    %select_n3A_657 = arith.select %eq3A_656, %broadcast_in_dim3A_20, %select_n3A_653 : vector<16xi1>, vector<16xi32>
    %eq3A_658 = arith.cmpi eq, %select_n3A_609, %broadcast_in_dim3A_18 : vector<16xi32>
    %select_n3A_659 = arith.select %eq3A_658, %broadcast_in_dim3A_10, %get3A_568 : vector<16xi1>, vector<16xf32>
    %eq3A_660 = arith.cmpf oeq, %select_n3A_659, %max3A_633 : vector<16xf32>
    %select_n3A_661 = arith.select %eq3A_660, %broadcast_in_dim3A_18, %select_n3A_657 : vector<16xi1>, vector<16xi32>
    %eq3A_662 = arith.cmpi eq, %select_n3A_609, %broadcast_in_dim3A_16 : vector<16xi32>
    %select_n3A_663 = arith.select %eq3A_662, %broadcast_in_dim3A_10, %get3A_565 : vector<16xi1>, vector<16xf32>
    %eq3A_664 = arith.cmpf oeq, %select_n3A_663, %max3A_633 : vector<16xf32>
    %select_n3A_665 = arith.select %eq3A_664, %broadcast_in_dim3A_16, %select_n3A_661 : vector<16xi1>, vector<16xi32>
    %sub3A_666 = arith.subf %max3A_633, %max3A_593 : vector<16xf32>
    %exp3A_667 = math.exp %sub3A_666 : vector<16xf32>
    %add3A_668 = arith.addf %broadcast_in_dim3A_14, %exp3A_667 : vector<16xf32>
    %div3A_669 = arith.divf %broadcast_in_dim3A_14, %add3A_668 : vector<16xf32>
    %sub3A_670 = arith.subf %broadcast_in_dim3A_14, %div3A_669 : vector<16xf32>
    %eq3A_671 = arith.cmpi eq, %select_n3A_609, %broadcast_in_dim3A_16 : vector<16xi32>
    %select_n3A_672 = arith.select %eq3A_671, %div3A_669, %broadcast_in_dim3A_12 : vector<16xi1>, vector<16xf32>
    %eq3A_673 = arith.cmpi eq, %select_n3A_665, %broadcast_in_dim3A_16 : vector<16xi32>
    %select_n3A_674 = arith.select %eq3A_673, %sub3A_670, %broadcast_in_dim3A_12 : vector<16xi1>, vector<16xf32>
    %add3A_675 = arith.addf %select_n3A_672, %select_n3A_674 : vector<16xf32>
    %swap3A_676 = arith.constant 48 : index
    %swap3A_677 = tpu.vector_load %arg5[%swap3A_676] {strides = array<i32>} : memref<512xf32, #tpu.memory_space<vmem>>, vector<16xf32>,
    %swap3A_678 = vector.shape_cast %swap3A_677 : vector<16xf32> to vector<16xf32>
    %swap3A_679 = vector.shape_cast %add3A_675 : vector<16xf32> to vector<16xf32>
    tpu.vector_store %arg5[%swap3A_676], %swap3A_679 {strides = array<i32>} : memref<512xf32, #tpu.memory_space<vmem>>, vector<16xf32>,
    %eq3A_680 = arith.cmpi eq, %select_n3A_609, %broadcast_in_dim3A_18 : vector<16xi32>
    %select_n3A_681 = arith.select %eq3A_680, %div3A_669, %broadcast_in_dim3A_12 : vector<16xi1>, vector<16xf32>
    %eq3A_682 = arith.cmpi eq, %select_n3A_665, %broadcast_in_dim3A_18 : vector<16xi32>
    %select_n3A_683 = arith.select %eq3A_682, %sub3A_670, %broadcast_in_dim3A_12 : vector<16xi1>, vector<16xf32>
    %add3A_684 = arith.addf %select_n3A_681, %select_n3A_683 : vector<16xf32>
    %swap3A_685 = arith.constant 112 : index
    %swap3A_686 = tpu.vector_load %arg5[%swap3A_685] {strides = array<i32>} : memref<512xf32, #tpu.memory_space<vmem>>, vector<16xf32>,
    %swap3A_687 = vector.shape_cast %swap3A_686 : vector<16xf32> to vector<16xf32>
    %swap3A_688 = vector.shape_cast %add3A_684 : vector<16xf32> to vector<16xf32>
    tpu.vector_store %arg5[%swap3A_685], %swap3A_688 {strides = array<i32>} : memref<512xf32, #tpu.memory_space<vmem>>, vector<16xf32>,
    %eq3A_689 = arith.cmpi eq, %select_n3A_609, %broadcast_in_dim3A_20 : vector<16xi32>
    %select_n3A_690 = arith.select %eq3A_689, %div3A_669, %broadcast_in_dim3A_12 : vector<16xi1>, vector<16xf32>
    %eq3A_691 = arith.cmpi eq, %select_n3A_665, %broadcast_in_dim3A_20 : vector<16xi32>
    %select_n3A_692 = arith.select %eq3A_691, %sub3A_670, %broadcast_in_dim3A_12 : vector<16xi1>, vector<16xf32>
    %add3A_693 = arith.addf %select_n3A_690, %select_n3A_692 : vector<16xf32>
    %swap3A_694 = arith.constant 176 : index
    %swap3A_695 = tpu.vector_load %arg5[%swap3A_694] {strides = array<i32>} : memref<512xf32, #tpu.memory_space<vmem>>, vector<16xf32>,
    %swap3A_696 = vector.shape_cast %swap3A_695 : vector<16xf32> to vector<16xf32>
    %swap3A_697 = vector.shape_cast %add3A_693 : vector<16xf32> to vector<16xf32>
    tpu.vector_store %arg5[%swap3A_694], %swap3A_697 {strides = array<i32>} : memref<512xf32, #tpu.memory_space<vmem>>, vector<16xf32>,
    %eq3A_698 = arith.cmpi eq, %select_n3A_609, %broadcast_in_dim3A_22 : vector<16xi32>
    %select_n3A_699 = arith.select %eq3A_698, %div3A_669, %broadcast_in_dim3A_12 : vector<16xi1>, vector<16xf32>
    %eq3A_700 = arith.cmpi eq, %select_n3A_665, %broadcast_in_dim3A_22 : vector<16xi32>
    %select_n3A_701 = arith.select %eq3A_700, %sub3A_670, %broadcast_in_dim3A_12 : vector<16xi1>, vector<16xf32>
    %add3A_702 = arith.addf %select_n3A_699, %select_n3A_701 : vector<16xf32>
    %swap3A_703 = arith.constant 240 : index
    %swap3A_704 = tpu.vector_load %arg5[%swap3A_703] {strides = array<i32>} : memref<512xf32, #tpu.memory_space<vmem>>, vector<16xf32>,
    %swap3A_705 = vector.shape_cast %swap3A_704 : vector<16xf32> to vector<16xf32>
    %swap3A_706 = vector.shape_cast %add3A_702 : vector<16xf32> to vector<16xf32>
    tpu.vector_store %arg5[%swap3A_703], %swap3A_706 {strides = array<i32>} : memref<512xf32, #tpu.memory_space<vmem>>, vector<16xf32>,
    %eq3A_707 = arith.cmpi eq, %select_n3A_609, %broadcast_in_dim3A_24 : vector<16xi32>
    %select_n3A_708 = arith.select %eq3A_707, %div3A_669, %broadcast_in_dim3A_12 : vector<16xi1>, vector<16xf32>
    %eq3A_709 = arith.cmpi eq, %select_n3A_665, %broadcast_in_dim3A_24 : vector<16xi32>
    %select_n3A_710 = arith.select %eq3A_709, %sub3A_670, %broadcast_in_dim3A_12 : vector<16xi1>, vector<16xf32>
    %add3A_711 = arith.addf %select_n3A_708, %select_n3A_710 : vector<16xf32>
    %swap3A_712 = arith.constant 304 : index
    %swap3A_713 = tpu.vector_load %arg5[%swap3A_712] {strides = array<i32>} : memref<512xf32, #tpu.memory_space<vmem>>, vector<16xf32>,
    %swap3A_714 = vector.shape_cast %swap3A_713 : vector<16xf32> to vector<16xf32>
    %swap3A_715 = vector.shape_cast %add3A_711 : vector<16xf32> to vector<16xf32>
    tpu.vector_store %arg5[%swap3A_712], %swap3A_715 {strides = array<i32>} : memref<512xf32, #tpu.memory_space<vmem>>, vector<16xf32>,
    %eq3A_716 = arith.cmpi eq, %select_n3A_609, %broadcast_in_dim3A_26 : vector<16xi32>
    %select_n3A_717 = arith.select %eq3A_716, %div3A_669, %broadcast_in_dim3A_12 : vector<16xi1>, vector<16xf32>
    %eq3A_718 = arith.cmpi eq, %select_n3A_665, %broadcast_in_dim3A_26 : vector<16xi32>
    %select_n3A_719 = arith.select %eq3A_718, %sub3A_670, %broadcast_in_dim3A_12 : vector<16xi1>, vector<16xf32>
    %add3A_720 = arith.addf %select_n3A_717, %select_n3A_719 : vector<16xf32>
    %swap3A_721 = arith.constant 368 : index
    %swap3A_722 = tpu.vector_load %arg5[%swap3A_721] {strides = array<i32>} : memref<512xf32, #tpu.memory_space<vmem>>, vector<16xf32>,
    %swap3A_723 = vector.shape_cast %swap3A_722 : vector<16xf32> to vector<16xf32>
    %swap3A_724 = vector.shape_cast %add3A_720 : vector<16xf32> to vector<16xf32>
    tpu.vector_store %arg5[%swap3A_721], %swap3A_724 {strides = array<i32>} : memref<512xf32, #tpu.memory_space<vmem>>, vector<16xf32>,
    %eq3A_725 = arith.cmpi eq, %select_n3A_609, %broadcast_in_dim3A_28 : vector<16xi32>
    %select_n3A_726 = arith.select %eq3A_725, %div3A_669, %broadcast_in_dim3A_12 : vector<16xi1>, vector<16xf32>
    %eq3A_727 = arith.cmpi eq, %select_n3A_665, %broadcast_in_dim3A_28 : vector<16xi32>
    %select_n3A_728 = arith.select %eq3A_727, %sub3A_670, %broadcast_in_dim3A_12 : vector<16xi1>, vector<16xf32>
    %add3A_729 = arith.addf %select_n3A_726, %select_n3A_728 : vector<16xf32>
    %swap3A_730 = arith.constant 432 : index
    %swap3A_731 = tpu.vector_load %arg5[%swap3A_730] {strides = array<i32>} : memref<512xf32, #tpu.memory_space<vmem>>, vector<16xf32>,
    %swap3A_732 = vector.shape_cast %swap3A_731 : vector<16xf32> to vector<16xf32>
    %swap3A_733 = vector.shape_cast %add3A_729 : vector<16xf32> to vector<16xf32>
    tpu.vector_store %arg5[%swap3A_730], %swap3A_733 {strides = array<i32>} : memref<512xf32, #tpu.memory_space<vmem>>, vector<16xf32>,
    %eq3A_734 = arith.cmpi eq, %select_n3A_609, %broadcast_in_dim3A_30 : vector<16xi32>
    %select_n3A_735 = arith.select %eq3A_734, %div3A_669, %broadcast_in_dim3A_12 : vector<16xi1>, vector<16xf32>
    %eq3A_736 = arith.cmpi eq, %select_n3A_665, %broadcast_in_dim3A_30 : vector<16xi32>
    %select_n3A_737 = arith.select %eq3A_736, %sub3A_670, %broadcast_in_dim3A_12 : vector<16xi1>, vector<16xf32>
    %add3A_738 = arith.addf %select_n3A_735, %select_n3A_737 : vector<16xf32>
    %swap3A_739 = arith.constant 496 : index
    %swap3A_740 = tpu.vector_load %arg5[%swap3A_739] {strides = array<i32>} : memref<512xf32, #tpu.memory_space<vmem>>, vector<16xf32>,
    %swap3A_741 = vector.shape_cast %swap3A_740 : vector<16xf32> to vector<16xf32>
    %swap3A_742 = vector.shape_cast %add3A_738 : vector<16xf32> to vector<16xf32>
    tpu.vector_store %arg5[%swap3A_739], %swap3A_742 {strides = array<i32>} : memref<512xf32, #tpu.memory_space<vmem>>, vector<16xf32>,
    %run_scoped3A_743 = arith.constant 0 : i32
    "tpu.region"() ({
      %run_scoped3A_751 = tpu.sem_alloc : memref<!tpu.dma_semaphore, #tpu.memory_space<semaphore_mem>>
      %dma_start3A = arith.constant 0 : i32
      %dma_start3A_752 = tpu.memref_slice %arg5[%dma_start3A] : memref<512xf32, #tpu.memory_space<vmem>> -> memref<64xf32, #tpu.memory_space<vmem>>
      %dma_start3A_753 = tpu.memref_slice %arg3[%run_scoped3A_743, %mul3A_2] : memref<8x2048xf32, #tpu.memory_space<hbm>> -> memref<1x64xf32, #tpu.memory_space<hbm>>
      %dma_start3A_754 = tpu.memref_squeeze %dma_start3A_753 : memref<1x64xf32, #tpu.memory_space<hbm>> -> memref<64xf32, #tpu.memory_space<hbm>>
      %dma_start3A_755 = tpu.memref_slice %arg3[%run_scoped3A_743, %mul3A_2] : memref<8x2048xf32, #tpu.memory_space<hbm>> -> memref<1x64xf32, #tpu.memory_space<hbm>>
      %dma_start3A_756 = tpu.memref_squeeze %dma_start3A_755 : memref<1x64xf32, #tpu.memory_space<hbm>> -> memref<64xf32, #tpu.memory_space<hbm>>
      %dma_start3A_757 = arith.constant 0 : i32
      %dma_start3A_758 = tpu.memref_slice %arg5[%dma_start3A_757] : memref<512xf32, #tpu.memory_space<vmem>> -> memref<64xf32, #tpu.memory_space<vmem>>
      tpu.enqueue_dma source(%dma_start3A_758 : memref<64xf32, #tpu.memory_space<vmem>>) target(%dma_start3A_756 : memref<64xf32, #tpu.memory_space<hbm>>) target_semaphore(%run_scoped3A_751 : memref<!tpu.dma_semaphore, #tpu.memory_space<semaphore_mem>>)
      %dma_wait3A = arith.constant 0 : i32
      %dma_wait3A_759 = tpu.memref_slice %arg5[%dma_wait3A] : memref<512xf32, #tpu.memory_space<vmem>> -> memref<64xf32, #tpu.memory_space<vmem>>
      %dma_wait3A_760 = tpu.memref_slice %arg3[%run_scoped3A_743, %mul3A_2] : memref<8x2048xf32, #tpu.memory_space<hbm>> -> memref<1x64xf32, #tpu.memory_space<hbm>>
      %dma_wait3A_761 = tpu.memref_squeeze %dma_wait3A_760 : memref<1x64xf32, #tpu.memory_space<hbm>> -> memref<64xf32, #tpu.memory_space<hbm>>
      %dma_wait3A_762 = tpu.memref_slice %arg3[%run_scoped3A_743, %mul3A_2] : memref<8x2048xf32, #tpu.memory_space<hbm>> -> memref<1x64xf32, #tpu.memory_space<hbm>>
      %dma_wait3A_763 = tpu.memref_squeeze %dma_wait3A_762 : memref<1x64xf32, #tpu.memory_space<hbm>> -> memref<64xf32, #tpu.memory_space<hbm>>
      %dma_wait3A_764 = arith.constant 0 : i32
      %dma_wait3A_765 = tpu.memref_slice %arg5[%dma_wait3A_764] : memref<512xf32, #tpu.memory_space<vmem>> -> memref<64xf32, #tpu.memory_space<vmem>>
      tpu.wait_dma2 semaphore(%run_scoped3A_751 : memref<!tpu.dma_semaphore, #tpu.memory_space<semaphore_mem>>) src(%dma_wait3A_765 : memref<64xf32, #tpu.memory_space<vmem>>) dst(%dma_wait3A_763 : memref<64xf32, #tpu.memory_space<hbm>>)
      tpu.yield
    }) : () -> ()
    %run_scoped3A_744 = arith.constant 1 : i32
    "tpu.region"() ({
      %run_scoped3A_751 = tpu.sem_alloc : memref<!tpu.dma_semaphore, #tpu.memory_space<semaphore_mem>>
      %dma_start3A = arith.constant 64 : i32
      %dma_start3A_752 = tpu.memref_slice %arg5[%dma_start3A] : memref<512xf32, #tpu.memory_space<vmem>> -> memref<64xf32, #tpu.memory_space<vmem>>
      %dma_start3A_753 = tpu.memref_slice %arg3[%run_scoped3A_744, %mul3A_2] : memref<8x2048xf32, #tpu.memory_space<hbm>> -> memref<1x64xf32, #tpu.memory_space<hbm>>
      %dma_start3A_754 = tpu.memref_squeeze %dma_start3A_753 : memref<1x64xf32, #tpu.memory_space<hbm>> -> memref<64xf32, #tpu.memory_space<hbm>>
      %dma_start3A_755 = tpu.memref_slice %arg3[%run_scoped3A_744, %mul3A_2] : memref<8x2048xf32, #tpu.memory_space<hbm>> -> memref<1x64xf32, #tpu.memory_space<hbm>>
      %dma_start3A_756 = tpu.memref_squeeze %dma_start3A_755 : memref<1x64xf32, #tpu.memory_space<hbm>> -> memref<64xf32, #tpu.memory_space<hbm>>
      %dma_start3A_757 = arith.constant 64 : i32
      %dma_start3A_758 = tpu.memref_slice %arg5[%dma_start3A_757] : memref<512xf32, #tpu.memory_space<vmem>> -> memref<64xf32, #tpu.memory_space<vmem>>
      tpu.enqueue_dma source(%dma_start3A_758 : memref<64xf32, #tpu.memory_space<vmem>>) target(%dma_start3A_756 : memref<64xf32, #tpu.memory_space<hbm>>) target_semaphore(%run_scoped3A_751 : memref<!tpu.dma_semaphore, #tpu.memory_space<semaphore_mem>>)
      %dma_wait3A = arith.constant 64 : i32
      %dma_wait3A_759 = tpu.memref_slice %arg5[%dma_wait3A] : memref<512xf32, #tpu.memory_space<vmem>> -> memref<64xf32, #tpu.memory_space<vmem>>
      %dma_wait3A_760 = tpu.memref_slice %arg3[%run_scoped3A_744, %mul3A_2] : memref<8x2048xf32, #tpu.memory_space<hbm>> -> memref<1x64xf32, #tpu.memory_space<hbm>>
      %dma_wait3A_761 = tpu.memref_squeeze %dma_wait3A_760 : memref<1x64xf32, #tpu.memory_space<hbm>> -> memref<64xf32, #tpu.memory_space<hbm>>
      %dma_wait3A_762 = tpu.memref_slice %arg3[%run_scoped3A_744, %mul3A_2] : memref<8x2048xf32, #tpu.memory_space<hbm>> -> memref<1x64xf32, #tpu.memory_space<hbm>>
      %dma_wait3A_763 = tpu.memref_squeeze %dma_wait3A_762 : memref<1x64xf32, #tpu.memory_space<hbm>> -> memref<64xf32, #tpu.memory_space<hbm>>
      %dma_wait3A_764 = arith.constant 64 : i32
      %dma_wait3A_765 = tpu.memref_slice %arg5[%dma_wait3A_764] : memref<512xf32, #tpu.memory_space<vmem>> -> memref<64xf32, #tpu.memory_space<vmem>>
      tpu.wait_dma2 semaphore(%run_scoped3A_751 : memref<!tpu.dma_semaphore, #tpu.memory_space<semaphore_mem>>) src(%dma_wait3A_765 : memref<64xf32, #tpu.memory_space<vmem>>) dst(%dma_wait3A_763 : memref<64xf32, #tpu.memory_space<hbm>>)
      tpu.yield
    }) : () -> ()
    %run_scoped3A_745 = arith.constant 2 : i32
    "tpu.region"() ({
      %run_scoped3A_751 = tpu.sem_alloc : memref<!tpu.dma_semaphore, #tpu.memory_space<semaphore_mem>>
      %dma_start3A = arith.constant 128 : i32
      %dma_start3A_752 = tpu.memref_slice %arg5[%dma_start3A] : memref<512xf32, #tpu.memory_space<vmem>> -> memref<64xf32, #tpu.memory_space<vmem>>
      %dma_start3A_753 = tpu.memref_slice %arg3[%run_scoped3A_745, %mul3A_2] : memref<8x2048xf32, #tpu.memory_space<hbm>> -> memref<1x64xf32, #tpu.memory_space<hbm>>
      %dma_start3A_754 = tpu.memref_squeeze %dma_start3A_753 : memref<1x64xf32, #tpu.memory_space<hbm>> -> memref<64xf32, #tpu.memory_space<hbm>>
      %dma_start3A_755 = tpu.memref_slice %arg3[%run_scoped3A_745, %mul3A_2] : memref<8x2048xf32, #tpu.memory_space<hbm>> -> memref<1x64xf32, #tpu.memory_space<hbm>>
      %dma_start3A_756 = tpu.memref_squeeze %dma_start3A_755 : memref<1x64xf32, #tpu.memory_space<hbm>> -> memref<64xf32, #tpu.memory_space<hbm>>
      %dma_start3A_757 = arith.constant 128 : i32
      %dma_start3A_758 = tpu.memref_slice %arg5[%dma_start3A_757] : memref<512xf32, #tpu.memory_space<vmem>> -> memref<64xf32, #tpu.memory_space<vmem>>
      tpu.enqueue_dma source(%dma_start3A_758 : memref<64xf32, #tpu.memory_space<vmem>>) target(%dma_start3A_756 : memref<64xf32, #tpu.memory_space<hbm>>) target_semaphore(%run_scoped3A_751 : memref<!tpu.dma_semaphore, #tpu.memory_space<semaphore_mem>>)
      %dma_wait3A = arith.constant 128 : i32
      %dma_wait3A_759 = tpu.memref_slice %arg5[%dma_wait3A] : memref<512xf32, #tpu.memory_space<vmem>> -> memref<64xf32, #tpu.memory_space<vmem>>
      %dma_wait3A_760 = tpu.memref_slice %arg3[%run_scoped3A_745, %mul3A_2] : memref<8x2048xf32, #tpu.memory_space<hbm>> -> memref<1x64xf32, #tpu.memory_space<hbm>>
      %dma_wait3A_761 = tpu.memref_squeeze %dma_wait3A_760 : memref<1x64xf32, #tpu.memory_space<hbm>> -> memref<64xf32, #tpu.memory_space<hbm>>
      %dma_wait3A_762 = tpu.memref_slice %arg3[%run_scoped3A_745, %mul3A_2] : memref<8x2048xf32, #tpu.memory_space<hbm>> -> memref<1x64xf32, #tpu.memory_space<hbm>>
      %dma_wait3A_763 = tpu.memref_squeeze %dma_wait3A_762 : memref<1x64xf32, #tpu.memory_space<hbm>> -> memref<64xf32, #tpu.memory_space<hbm>>
      %dma_wait3A_764 = arith.constant 128 : i32
      %dma_wait3A_765 = tpu.memref_slice %arg5[%dma_wait3A_764] : memref<512xf32, #tpu.memory_space<vmem>> -> memref<64xf32, #tpu.memory_space<vmem>>
      tpu.wait_dma2 semaphore(%run_scoped3A_751 : memref<!tpu.dma_semaphore, #tpu.memory_space<semaphore_mem>>) src(%dma_wait3A_765 : memref<64xf32, #tpu.memory_space<vmem>>) dst(%dma_wait3A_763 : memref<64xf32, #tpu.memory_space<hbm>>)
      tpu.yield
    }) : () -> ()
    %run_scoped3A_746 = arith.constant 3 : i32
    "tpu.region"() ({
      %run_scoped3A_751 = tpu.sem_alloc : memref<!tpu.dma_semaphore, #tpu.memory_space<semaphore_mem>>
      %dma_start3A = arith.constant 192 : i32
      %dma_start3A_752 = tpu.memref_slice %arg5[%dma_start3A] : memref<512xf32, #tpu.memory_space<vmem>> -> memref<64xf32, #tpu.memory_space<vmem>>
      %dma_start3A_753 = tpu.memref_slice %arg3[%run_scoped3A_746, %mul3A_2] : memref<8x2048xf32, #tpu.memory_space<hbm>> -> memref<1x64xf32, #tpu.memory_space<hbm>>
      %dma_start3A_754 = tpu.memref_squeeze %dma_start3A_753 : memref<1x64xf32, #tpu.memory_space<hbm>> -> memref<64xf32, #tpu.memory_space<hbm>>
      %dma_start3A_755 = tpu.memref_slice %arg3[%run_scoped3A_746, %mul3A_2] : memref<8x2048xf32, #tpu.memory_space<hbm>> -> memref<1x64xf32, #tpu.memory_space<hbm>>
      %dma_start3A_756 = tpu.memref_squeeze %dma_start3A_755 : memref<1x64xf32, #tpu.memory_space<hbm>> -> memref<64xf32, #tpu.memory_space<hbm>>
      %dma_start3A_757 = arith.constant 192 : i32
      %dma_start3A_758 = tpu.memref_slice %arg5[%dma_start3A_757] : memref<512xf32, #tpu.memory_space<vmem>> -> memref<64xf32, #tpu.memory_space<vmem>>
      tpu.enqueue_dma source(%dma_start3A_758 : memref<64xf32, #tpu.memory_space<vmem>>) target(%dma_start3A_756 : memref<64xf32, #tpu.memory_space<hbm>>) target_semaphore(%run_scoped3A_751 : memref<!tpu.dma_semaphore, #tpu.memory_space<semaphore_mem>>)
      %dma_wait3A = arith.constant 192 : i32
      %dma_wait3A_759 = tpu.memref_slice %arg5[%dma_wait3A] : memref<512xf32, #tpu.memory_space<vmem>> -> memref<64xf32, #tpu.memory_space<vmem>>
      %dma_wait3A_760 = tpu.memref_slice %arg3[%run_scoped3A_746, %mul3A_2] : memref<8x2048xf32, #tpu.memory_space<hbm>> -> memref<1x64xf32, #tpu.memory_space<hbm>>
      %dma_wait3A_761 = tpu.memref_squeeze %dma_wait3A_760 : memref<1x64xf32, #tpu.memory_space<hbm>> -> memref<64xf32, #tpu.memory_space<hbm>>
      %dma_wait3A_762 = tpu.memref_slice %arg3[%run_scoped3A_746, %mul3A_2] : memref<8x2048xf32, #tpu.memory_space<hbm>> -> memref<1x64xf32, #tpu.memory_space<hbm>>
      %dma_wait3A_763 = tpu.memref_squeeze %dma_wait3A_762 : memref<1x64xf32, #tpu.memory_space<hbm>> -> memref<64xf32, #tpu.memory_space<hbm>>
      %dma_wait3A_764 = arith.constant 192 : i32
      %dma_wait3A_765 = tpu.memref_slice %arg5[%dma_wait3A_764] : memref<512xf32, #tpu.memory_space<vmem>> -> memref<64xf32, #tpu.memory_space<vmem>>
      tpu.wait_dma2 semaphore(%run_scoped3A_751 : memref<!tpu.dma_semaphore, #tpu.memory_space<semaphore_mem>>) src(%dma_wait3A_765 : memref<64xf32, #tpu.memory_space<vmem>>) dst(%dma_wait3A_763 : memref<64xf32, #tpu.memory_space<hbm>>)
      tpu.yield
    }) : () -> ()
    %run_scoped3A_747 = arith.constant 4 : i32
    "tpu.region"() ({
      %run_scoped3A_751 = tpu.sem_alloc : memref<!tpu.dma_semaphore, #tpu.memory_space<semaphore_mem>>
      %dma_start3A = arith.constant 256 : i32
      %dma_start3A_752 = tpu.memref_slice %arg5[%dma_start3A] : memref<512xf32, #tpu.memory_space<vmem>> -> memref<64xf32, #tpu.memory_space<vmem>>
      %dma_start3A_753 = tpu.memref_slice %arg3[%run_scoped3A_747, %mul3A_2] : memref<8x2048xf32, #tpu.memory_space<hbm>> -> memref<1x64xf32, #tpu.memory_space<hbm>>
      %dma_start3A_754 = tpu.memref_squeeze %dma_start3A_753 : memref<1x64xf32, #tpu.memory_space<hbm>> -> memref<64xf32, #tpu.memory_space<hbm>>
      %dma_start3A_755 = tpu.memref_slice %arg3[%run_scoped3A_747, %mul3A_2] : memref<8x2048xf32, #tpu.memory_space<hbm>> -> memref<1x64xf32, #tpu.memory_space<hbm>>
      %dma_start3A_756 = tpu.memref_squeeze %dma_start3A_755 : memref<1x64xf32, #tpu.memory_space<hbm>> -> memref<64xf32, #tpu.memory_space<hbm>>
      %dma_start3A_757 = arith.constant 256 : i32
      %dma_start3A_758 = tpu.memref_slice %arg5[%dma_start3A_757] : memref<512xf32, #tpu.memory_space<vmem>> -> memref<64xf32, #tpu.memory_space<vmem>>
      tpu.enqueue_dma source(%dma_start3A_758 : memref<64xf32, #tpu.memory_space<vmem>>) target(%dma_start3A_756 : memref<64xf32, #tpu.memory_space<hbm>>) target_semaphore(%run_scoped3A_751 : memref<!tpu.dma_semaphore, #tpu.memory_space<semaphore_mem>>)
      %dma_wait3A = arith.constant 256 : i32
      %dma_wait3A_759 = tpu.memref_slice %arg5[%dma_wait3A] : memref<512xf32, #tpu.memory_space<vmem>> -> memref<64xf32, #tpu.memory_space<vmem>>
      %dma_wait3A_760 = tpu.memref_slice %arg3[%run_scoped3A_747, %mul3A_2] : memref<8x2048xf32, #tpu.memory_space<hbm>> -> memref<1x64xf32, #tpu.memory_space<hbm>>
      %dma_wait3A_761 = tpu.memref_squeeze %dma_wait3A_760 : memref<1x64xf32, #tpu.memory_space<hbm>> -> memref<64xf32, #tpu.memory_space<hbm>>
      %dma_wait3A_762 = tpu.memref_slice %arg3[%run_scoped3A_747, %mul3A_2] : memref<8x2048xf32, #tpu.memory_space<hbm>> -> memref<1x64xf32, #tpu.memory_space<hbm>>
      %dma_wait3A_763 = tpu.memref_squeeze %dma_wait3A_762 : memref<1x64xf32, #tpu.memory_space<hbm>> -> memref<64xf32, #tpu.memory_space<hbm>>
      %dma_wait3A_764 = arith.constant 256 : i32
      %dma_wait3A_765 = tpu.memref_slice %arg5[%dma_wait3A_764] : memref<512xf32, #tpu.memory_space<vmem>> -> memref<64xf32, #tpu.memory_space<vmem>>
      tpu.wait_dma2 semaphore(%run_scoped3A_751 : memref<!tpu.dma_semaphore, #tpu.memory_space<semaphore_mem>>) src(%dma_wait3A_765 : memref<64xf32, #tpu.memory_space<vmem>>) dst(%dma_wait3A_763 : memref<64xf32, #tpu.memory_space<hbm>>)
      tpu.yield
    }) : () -> ()
    %run_scoped3A_748 = arith.constant 5 : i32
    "tpu.region"() ({
      %run_scoped3A_751 = tpu.sem_alloc : memref<!tpu.dma_semaphore, #tpu.memory_space<semaphore_mem>>
      %dma_start3A = arith.constant 320 : i32
      %dma_start3A_752 = tpu.memref_slice %arg5[%dma_start3A] : memref<512xf32, #tpu.memory_space<vmem>> -> memref<64xf32, #tpu.memory_space<vmem>>
      %dma_start3A_753 = tpu.memref_slice %arg3[%run_scoped3A_748, %mul3A_2] : memref<8x2048xf32, #tpu.memory_space<hbm>> -> memref<1x64xf32, #tpu.memory_space<hbm>>
      %dma_start3A_754 = tpu.memref_squeeze %dma_start3A_753 : memref<1x64xf32, #tpu.memory_space<hbm>> -> memref<64xf32, #tpu.memory_space<hbm>>
      %dma_start3A_755 = tpu.memref_slice %arg3[%run_scoped3A_748, %mul3A_2] : memref<8x2048xf32, #tpu.memory_space<hbm>> -> memref<1x64xf32, #tpu.memory_space<hbm>>
      %dma_start3A_756 = tpu.memref_squeeze %dma_start3A_755 : memref<1x64xf32, #tpu.memory_space<hbm>> -> memref<64xf32, #tpu.memory_space<hbm>>
      %dma_start3A_757 = arith.constant 320 : i32
      %dma_start3A_758 = tpu.memref_slice %arg5[%dma_start3A_757] : memref<512xf32, #tpu.memory_space<vmem>> -> memref<64xf32, #tpu.memory_space<vmem>>
      tpu.enqueue_dma source(%dma_start3A_758 : memref<64xf32, #tpu.memory_space<vmem>>) target(%dma_start3A_756 : memref<64xf32, #tpu.memory_space<hbm>>) target_semaphore(%run_scoped3A_751 : memref<!tpu.dma_semaphore, #tpu.memory_space<semaphore_mem>>)
      %dma_wait3A = arith.constant 320 : i32
      %dma_wait3A_759 = tpu.memref_slice %arg5[%dma_wait3A] : memref<512xf32, #tpu.memory_space<vmem>> -> memref<64xf32, #tpu.memory_space<vmem>>
      %dma_wait3A_760 = tpu.memref_slice %arg3[%run_scoped3A_748, %mul3A_2] : memref<8x2048xf32, #tpu.memory_space<hbm>> -> memref<1x64xf32, #tpu.memory_space<hbm>>
      %dma_wait3A_761 = tpu.memref_squeeze %dma_wait3A_760 : memref<1x64xf32, #tpu.memory_space<hbm>> -> memref<64xf32, #tpu.memory_space<hbm>>
      %dma_wait3A_762 = tpu.memref_slice %arg3[%run_scoped3A_748, %mul3A_2] : memref<8x2048xf32, #tpu.memory_space<hbm>> -> memref<1x64xf32, #tpu.memory_space<hbm>>
      %dma_wait3A_763 = tpu.memref_squeeze %dma_wait3A_762 : memref<1x64xf32, #tpu.memory_space<hbm>> -> memref<64xf32, #tpu.memory_space<hbm>>
      %dma_wait3A_764 = arith.constant 320 : i32
      %dma_wait3A_765 = tpu.memref_slice %arg5[%dma_wait3A_764] : memref<512xf32, #tpu.memory_space<vmem>> -> memref<64xf32, #tpu.memory_space<vmem>>
      tpu.wait_dma2 semaphore(%run_scoped3A_751 : memref<!tpu.dma_semaphore, #tpu.memory_space<semaphore_mem>>) src(%dma_wait3A_765 : memref<64xf32, #tpu.memory_space<vmem>>) dst(%dma_wait3A_763 : memref<64xf32, #tpu.memory_space<hbm>>)
      tpu.yield
    }) : () -> ()
    %run_scoped3A_749 = arith.constant 6 : i32
    "tpu.region"() ({
      %run_scoped3A_751 = tpu.sem_alloc : memref<!tpu.dma_semaphore, #tpu.memory_space<semaphore_mem>>
      %dma_start3A = arith.constant 384 : i32
      %dma_start3A_752 = tpu.memref_slice %arg5[%dma_start3A] : memref<512xf32, #tpu.memory_space<vmem>> -> memref<64xf32, #tpu.memory_space<vmem>>
      %dma_start3A_753 = tpu.memref_slice %arg3[%run_scoped3A_749, %mul3A_2] : memref<8x2048xf32, #tpu.memory_space<hbm>> -> memref<1x64xf32, #tpu.memory_space<hbm>>
      %dma_start3A_754 = tpu.memref_squeeze %dma_start3A_753 : memref<1x64xf32, #tpu.memory_space<hbm>> -> memref<64xf32, #tpu.memory_space<hbm>>
      %dma_start3A_755 = tpu.memref_slice %arg3[%run_scoped3A_749, %mul3A_2] : memref<8x2048xf32, #tpu.memory_space<hbm>> -> memref<1x64xf32, #tpu.memory_space<hbm>>
      %dma_start3A_756 = tpu.memref_squeeze %dma_start3A_755 : memref<1x64xf32, #tpu.memory_space<hbm>> -> memref<64xf32, #tpu.memory_space<hbm>>
      %dma_start3A_757 = arith.constant 384 : i32
      %dma_start3A_758 = tpu.memref_slice %arg5[%dma_start3A_757] : memref<512xf32, #tpu.memory_space<vmem>> -> memref<64xf32, #tpu.memory_space<vmem>>
      tpu.enqueue_dma source(%dma_start3A_758 : memref<64xf32, #tpu.memory_space<vmem>>) target(%dma_start3A_756 : memref<64xf32, #tpu.memory_space<hbm>>) target_semaphore(%run_scoped3A_751 : memref<!tpu.dma_semaphore, #tpu.memory_space<semaphore_mem>>)
      %dma_wait3A = arith.constant 384 : i32
      %dma_wait3A_759 = tpu.memref_slice %arg5[%dma_wait3A] : memref<512xf32, #tpu.memory_space<vmem>> -> memref<64xf32, #tpu.memory_space<vmem>>
      %dma_wait3A_760 = tpu.memref_slice %arg3[%run_scoped3A_749, %mul3A_2] : memref<8x2048xf32, #tpu.memory_space<hbm>> -> memref<1x64xf32, #tpu.memory_space<hbm>>
      %dma_wait3A_761 = tpu.memref_squeeze %dma_wait3A_760 : memref<1x64xf32, #tpu.memory_space<hbm>> -> memref<64xf32, #tpu.memory_space<hbm>>
      %dma_wait3A_762 = tpu.memref_slice %arg3[%run_scoped3A_749, %mul3A_2] : memref<8x2048xf32, #tpu.memory_space<hbm>> -> memref<1x64xf32, #tpu.memory_space<hbm>>
      %dma_wait3A_763 = tpu.memref_squeeze %dma_wait3A_762 : memref<1x64xf32, #tpu.memory_space<hbm>> -> memref<64xf32, #tpu.memory_space<hbm>>
      %dma_wait3A_764 = arith.constant 384 : i32
      %dma_wait3A_765 = tpu.memref_slice %arg5[%dma_wait3A_764] : memref<512xf32, #tpu.memory_space<vmem>> -> memref<64xf32, #tpu.memory_space<vmem>>
      tpu.wait_dma2 semaphore(%run_scoped3A_751 : memref<!tpu.dma_semaphore, #tpu.memory_space<semaphore_mem>>) src(%dma_wait3A_765 : memref<64xf32, #tpu.memory_space<vmem>>) dst(%dma_wait3A_763 : memref<64xf32, #tpu.memory_space<hbm>>)
      tpu.yield
    }) : () -> ()
    %run_scoped3A_750 = arith.constant 7 : i32
    "tpu.region"() ({
      %run_scoped3A_751 = tpu.sem_alloc : memref<!tpu.dma_semaphore, #tpu.memory_space<semaphore_mem>>
      %dma_start3A = arith.constant 448 : i32
      %dma_start3A_752 = tpu.memref_slice %arg5[%dma_start3A] : memref<512xf32, #tpu.memory_space<vmem>> -> memref<64xf32, #tpu.memory_space<vmem>>
      %dma_start3A_753 = tpu.memref_slice %arg3[%run_scoped3A_750, %mul3A_2] : memref<8x2048xf32, #tpu.memory_space<hbm>> -> memref<1x64xf32, #tpu.memory_space<hbm>>
      %dma_start3A_754 = tpu.memref_squeeze %dma_start3A_753 : memref<1x64xf32, #tpu.memory_space<hbm>> -> memref<64xf32, #tpu.memory_space<hbm>>
      %dma_start3A_755 = tpu.memref_slice %arg3[%run_scoped3A_750, %mul3A_2] : memref<8x2048xf32, #tpu.memory_space<hbm>> -> memref<1x64xf32, #tpu.memory_space<hbm>>
      %dma_start3A_756 = tpu.memref_squeeze %dma_start3A_755 : memref<1x64xf32, #tpu.memory_space<hbm>> -> memref<64xf32, #tpu.memory_space<hbm>>
      %dma_start3A_757 = arith.constant 448 : i32
      %dma_start3A_758 = tpu.memref_slice %arg5[%dma_start3A_757] : memref<512xf32, #tpu.memory_space<vmem>> -> memref<64xf32, #tpu.memory_space<vmem>>
      tpu.enqueue_dma source(%dma_start3A_758 : memref<64xf32, #tpu.memory_space<vmem>>) target(%dma_start3A_756 : memref<64xf32, #tpu.memory_space<hbm>>) target_semaphore(%run_scoped3A_751 : memref<!tpu.dma_semaphore, #tpu.memory_space<semaphore_mem>>)
      %dma_wait3A = arith.constant 448 : i32
      %dma_wait3A_759 = tpu.memref_slice %arg5[%dma_wait3A] : memref<512xf32, #tpu.memory_space<vmem>> -> memref<64xf32, #tpu.memory_space<vmem>>
      %dma_wait3A_760 = tpu.memref_slice %arg3[%run_scoped3A_750, %mul3A_2] : memref<8x2048xf32, #tpu.memory_space<hbm>> -> memref<1x64xf32, #tpu.memory_space<hbm>>
      %dma_wait3A_761 = tpu.memref_squeeze %dma_wait3A_760 : memref<1x64xf32, #tpu.memory_space<hbm>> -> memref<64xf32, #tpu.memory_space<hbm>>
      %dma_wait3A_762 = tpu.memref_slice %arg3[%run_scoped3A_750, %mul3A_2] : memref<8x2048xf32, #tpu.memory_space<hbm>> -> memref<1x64xf32, #tpu.memory_space<hbm>>
      %dma_wait3A_763 = tpu.memref_squeeze %dma_wait3A_762 : memref<1x64xf32, #tpu.memory_space<hbm>> -> memref<64xf32, #tpu.memory_space<hbm>>
      %dma_wait3A_764 = arith.constant 448 : i32
      %dma_wait3A_765 = tpu.memref_slice %arg5[%dma_wait3A_764] : memref<512xf32, #tpu.memory_space<vmem>> -> memref<64xf32, #tpu.memory_space<vmem>>
      tpu.wait_dma2 semaphore(%run_scoped3A_751 : memref<!tpu.dma_semaphore, #tpu.memory_space<semaphore_mem>>) src(%dma_wait3A_765 : memref<64xf32, #tpu.memory_space<vmem>>) dst(%dma_wait3A_763 : memref<64xf32, #tpu.memory_space<hbm>>)
      tpu.yield
    }) : () -> ()
    return
  }
}

module attributes {stable_mosaic.version = 14 : i64} {
  func.func @_attn_body(%arg0: i32, %arg1: memref<2048x128xbf16, #tpu.memory_space<vmem>>, %arg2: memref<2048x128xbf16, #tpu.memory_space<vmem>>, %arg3: memref<2048x128xbf16, #tpu.memory_space<vmem>>, %arg4: memref<2048x128xbf16, #tpu.memory_space<vmem>>) attributes {dimension_semantics = [#tpu.dimension_semantics<arbitrary>], iteration_bounds = array<i64: 6>, scalar_prefetch = 0 : i64, scratch_operands = 0 : i64, tpu.core_type = #tpu.core_type<tc>, window_params = [{transform_indices = @transform_0, window_bounds = array<i64: 2048, 128>}, {transform_indices = @transform_1, window_bounds = array<i64: 2048, 128>}, {transform_indices = @transform_2, window_bounds = array<i64: 2048, 128>}, {transform_indices = @transform_3, window_bounds = array<i64: 2048, 128>}]} {
    %get3A = arith.constant 0 : index
    %get3A_0 = arith.constant 0 : index
    %get3A_1 = vector.load %arg1[%get3A, %get3A_0] : memref<2048x128xbf16, #tpu.memory_space<vmem>>, vector<2048x128xbf16>
    %get3A_2 = arith.constant 0 : index
    %get3A_3 = arith.constant 0 : index
    %get3A_4 = vector.load %arg2[%get3A_2, %get3A_3] : memref<2048x128xbf16, #tpu.memory_space<vmem>>, vector<2048x128xbf16>
    %get3A_5 = arith.constant 0 : index
    %get3A_6 = arith.constant 0 : index
    %get3A_7 = vector.load %arg3[%get3A_5, %get3A_6] : memref<2048x128xbf16, #tpu.memory_space<vmem>>, vector<2048x128xbf16>
    %broadcast_in_dim3A = arith.constant 1.000000e+00 : bf16
    %broadcast_in_dim3A_8 = vector.broadcast %broadcast_in_dim3A : bf16 to vector<2048x64xbf16>
    %slice3A = vector.extract_strided_slice %get3A_1 {offsets = [0, 0], sizes = [2048, 64], strides = [1, 1]} : vector<2048x128xbf16> to vector<2048x64xbf16>
    %slice3A_9 = vector.extract_strided_slice %get3A_4 {offsets = [0, 0], sizes = [2048, 64], strides = [1, 1]} : vector<2048x128xbf16> to vector<2048x64xbf16>
    %slice3A_10 = vector.extract_strided_slice %get3A_7 {offsets = [0, 0], sizes = [2048, 64], strides = [1, 1]} : vector<2048x128xbf16> to vector<2048x64xbf16>
    %dot_general3A = arith.constant dense<0.000000e+00> : vector<2048x2048xf32>
    %dot_general3A_11 = tpu.matmul %slice3A, %slice3A_9, %dot_general3A {dimension_numbers = #tpu.dot_dimension_numbers<[1], [1], [0], [0], [0, 0, 1, 0], [], []>, transpose_lhs_hint = false} : vector<2048x64xbf16>, vector<2048x64xbf16>, vector<2048x2048xf32> -> vector<2048x2048xf32>
    %convert_element_type3A = arith.truncf %dot_general3A_11 : vector<2048x2048xf32> to vector<2048x2048xbf16>
    %exp23A = math.exp2 %convert_element_type3A : vector<2048x2048xbf16>
    %concatenate3A = tpu.concatenate %slice3A_10, %broadcast_in_dim3A_8 in 1 : vector<2048x64xbf16>, vector<2048x64xbf16> -> vector<2048x128xbf16>
    %dot_general3A_12 = arith.constant dense<0.000000e+00> : vector<2048x128xf32>
    %dot_general3A_13 = tpu.matmul %exp23A, %concatenate3A, %dot_general3A_12 {dimension_numbers = #tpu.dot_dimension_numbers<[1], [0], [0], [1], [0, 0, 1, 1], [], []>, transpose_lhs_hint = false} : vector<2048x2048xbf16>, vector<2048x128xbf16>, vector<2048x128xf32> -> vector<2048x128xf32>
    %slice3A_14 = vector.extract_strided_slice %dot_general3A_13 {offsets = [0, 0], sizes = [2048, 64], strides = [1, 1]} : vector<2048x128xf32> to vector<2048x64xf32>
    %slice3A_15 = vector.extract_strided_slice %dot_general3A_13 {offsets = [0, 64], sizes = [2048, 1], strides = [1, 1]} : vector<2048x128xf32> to vector<2048x1xf32>
    %div3A = vector.broadcast %slice3A_15 : vector<2048x1xf32> to vector<2048x64xf32>
    %div3A_16 = arith.divf %slice3A_14, %div3A : vector<2048x64xf32>
    %convert_element_type3A_17 = arith.truncf %div3A_16 : vector<2048x64xf32> to vector<2048x64xbf16>
    %slice3A_18 = vector.extract_strided_slice %get3A_1 {offsets = [0, 64], sizes = [2048, 64], strides = [1, 1]} : vector<2048x128xbf16> to vector<2048x64xbf16>
    %slice3A_19 = vector.extract_strided_slice %get3A_4 {offsets = [0, 64], sizes = [2048, 64], strides = [1, 1]} : vector<2048x128xbf16> to vector<2048x64xbf16>
    %slice3A_20 = vector.extract_strided_slice %get3A_7 {offsets = [0, 64], sizes = [2048, 64], strides = [1, 1]} : vector<2048x128xbf16> to vector<2048x64xbf16>
    %dot_general3A_21 = arith.constant dense<0.000000e+00> : vector<2048x2048xf32>
    %dot_general3A_22 = tpu.matmul %slice3A_18, %slice3A_19, %dot_general3A_21 {dimension_numbers = #tpu.dot_dimension_numbers<[1], [1], [0], [0], [0, 0, 1, 0], [], []>, transpose_lhs_hint = false} : vector<2048x64xbf16>, vector<2048x64xbf16>, vector<2048x2048xf32> -> vector<2048x2048xf32>
    %convert_element_type3A_23 = arith.truncf %dot_general3A_22 : vector<2048x2048xf32> to vector<2048x2048xbf16>
    %exp23A_24 = math.exp2 %convert_element_type3A_23 : vector<2048x2048xbf16>
    %concatenate3A_25 = tpu.concatenate %slice3A_20, %broadcast_in_dim3A_8 in 1 : vector<2048x64xbf16>, vector<2048x64xbf16> -> vector<2048x128xbf16>
    %dot_general3A_26 = arith.constant dense<0.000000e+00> : vector<2048x128xf32>
    %dot_general3A_27 = tpu.matmul %exp23A_24, %concatenate3A_25, %dot_general3A_26 {dimension_numbers = #tpu.dot_dimension_numbers<[1], [0], [0], [1], [0, 0, 1, 1], [], []>, transpose_lhs_hint = false} : vector<2048x2048xbf16>, vector<2048x128xbf16>, vector<2048x128xf32> -> vector<2048x128xf32>
    %slice3A_28 = vector.extract_strided_slice %dot_general3A_27 {offsets = [0, 0], sizes = [2048, 64], strides = [1, 1]} : vector<2048x128xf32> to vector<2048x64xf32>
    %slice3A_29 = vector.extract_strided_slice %dot_general3A_27 {offsets = [0, 64], sizes = [2048, 1], strides = [1, 1]} : vector<2048x128xf32> to vector<2048x1xf32>
    %div3A_30 = vector.broadcast %slice3A_29 : vector<2048x1xf32> to vector<2048x64xf32>
    %div3A_31 = arith.divf %slice3A_28, %div3A_30 : vector<2048x64xf32>
    %convert_element_type3A_32 = arith.truncf %div3A_31 : vector<2048x64xf32> to vector<2048x64xbf16>
    %concatenate3A_33 = tpu.concatenate %convert_element_type3A_17, %convert_element_type3A_32 in 1 : vector<2048x64xbf16>, vector<2048x64xbf16> -> vector<2048x128xbf16>
    %swap3A = arith.constant 0 : index
    %swap3A_34 = arith.constant 0 : index
    %swap3A_35 = vector.load %arg4[%swap3A, %swap3A_34] : memref<2048x128xbf16, #tpu.memory_space<vmem>>, vector<2048x128xbf16>
    tpu.vector_store %arg4[%swap3A, %swap3A_34], %concatenate3A_33 {strides = array<i32>} : memref<2048x128xbf16, #tpu.memory_space<vmem>>, vector<2048x128xbf16>,
    return
  }
  func.func @transform_0(%arg0: i32) -> (i32, i32) {
    %c0_i32 = arith.constant 0 : i32
    %c0_i32_0 = arith.constant 0 : i32
    return %c0_i32, %arg0 : i32, i32
  }
  func.func @transform_1(%arg0: i32) -> (i32, i32) {
    %c0_i32 = arith.constant 0 : i32
    %c0_i32_0 = arith.constant 0 : i32
    return %c0_i32, %arg0 : i32, i32
  }
  func.func @transform_2(%arg0: i32) -> (i32, i32) {
    %c0_i32 = arith.constant 0 : i32
    %c0_i32_0 = arith.constant 0 : i32
    return %c0_i32, %arg0 : i32, i32
  }
  func.func @transform_3(%arg0: i32) -> (i32, i32) {
    %c0_i32 = arith.constant 0 : i32
    %c0_i32_0 = arith.constant 0 : i32
    return %c0_i32, %arg0 : i32, i32
  }
}

module attributes {stable_mosaic.version = 14 : i64} {
  func.func @_moe_body(%arg0: i32, %arg1: memref<256x768xbf16, #tpu.memory_space<vmem>>, %arg2: memref<8x256xf32, #tpu.memory_space<vmem>>, %arg3: memref<256x768xf32, #tpu.memory_space<vmem>>, %arg4: memref<8x768x768xf32, #tpu.memory_space<vmem>>, %arg5: memref<8x768xf32, #tpu.memory_space<vmem>>, %arg6: memref<256x768xf32, #tpu.memory_space<vmem>>) attributes {dimension_semantics = [#tpu.dimension_semantics<arbitrary>], iteration_bounds = array<i64: 8>, scalar_prefetch = 0 : i64, scratch_operands = 0 : i64, tpu.core_type = #tpu.core_type<tc>, window_params = [{transform_indices = @transform_0, window_bounds = array<i64: 256, 768>}, {transform_indices = @transform_1, window_bounds = array<i64: 8, 256>}, {transform_indices = @transform_2, window_bounds = array<i64: 256, 768>}, {pipeline_mode = #tpu.pipeline_mode<synchronous>, transform_indices = @transform_3, window_bounds = array<i64: 8, 768, 768>}, {pipeline_mode = #tpu.pipeline_mode<synchronous>, transform_indices = @transform_4, window_bounds = array<i64: 8, 768>}, {transform_indices = @transform_5, window_bounds = array<i64: 256, 768>}]} {
    %get3A = arith.constant 0 : index
    %get3A_0 = arith.constant 0 : index
    %get3A_1 = vector.load %arg2[%get3A, %get3A_0] : memref<8x256xf32, #tpu.memory_space<vmem>>, vector<8x256xf32>
    %iota3A = tpu.iota {dimensions = array<i32: 0>} : vector<8x8xi32>
    %iota3A_2 = tpu.iota {dimensions = array<i32: 1>} : vector<8x8xi32>
    %add3A = arith.constant 0 : i32
    %add3A_3 = vector.broadcast %add3A : i32 to vector<8x8xi32>
    %add3A_4 = arith.addi %iota3A, %add3A_3 : vector<8x8xi32>
    %eq3A = arith.cmpi eq, %add3A_4, %iota3A_2 : vector<8x8xi32>
    %convert_element_type3A = arith.extui %eq3A : vector<8x8xi1> to vector<8x8xi32>
    %convert_element_type3A_5 = arith.sitofp %convert_element_type3A : vector<8x8xi32> to vector<8x8xf32>
    %dot_general3A = arith.constant dense<0.000000e+00> : vector<256x8xf32>
    %dot_general3A_6 = tpu.matmul %get3A_1, %convert_element_type3A_5, %dot_general3A {dimension_numbers = #tpu.dot_dimension_numbers<[0], [0], [1], [1], [0, 1, 1, 1], [], []>, transpose_lhs_hint = false} : vector<8x256xf32>, vector<8x8xf32>, vector<256x8xf32> -> vector<256x8xf32>
    %get3A_7 = arith.constant 0 : index
    %get3A_8 = arith.constant 0 : index
    %get3A_9 = vector.load %arg1[%get3A_7, %get3A_8] : memref<256x768xbf16, #tpu.memory_space<vmem>>, vector<256x768xbf16>
    %get3A_10 = arith.constant 0 : index
    %get3A_11 = arith.constant 0 : index
    %get3A_12 = vector.load %arg3[%get3A_10, %get3A_11] : memref<256x768xf32, #tpu.memory_space<vmem>>, vector<256x768xf32>
    %slice3A = vector.extract_strided_slice %dot_general3A_6 {offsets = [0, 0], sizes = [256, 1], strides = [1, 1]} : vector<256x8xf32> to vector<256x1xf32>
    %get3A_13 = arith.constant 0 : index
    %get3A_14 = arith.constant 0 : index
    %get3A_15 = arith.constant 0 : index
    %get3A_16 = vector.load %arg4[%get3A_13, %get3A_14, %get3A_15] : memref<8x768x768xf32, #tpu.memory_space<vmem>>, vector<1x768x768xf32>
    %get3A_17 = vector.shape_cast %get3A_16 : vector<1x768x768xf32> to vector<768x768xf32>
    %convert_element_type3A_18 = arith.truncf %get3A_17 : vector<768x768xf32> to vector<768x768xbf16>
    %dot_general3A_19 = arith.constant dense<0.000000e+00> : vector<256x768xf32>
    %dot_general3A_20 = tpu.matmul %get3A_9, %convert_element_type3A_18, %dot_general3A_19 {dimension_numbers = #tpu.dot_dimension_numbers<[1], [0], [0], [1], [0, 0, 1, 1], [], []>, transpose_lhs_hint = false} : vector<256x768xbf16>, vector<768x768xbf16>, vector<256x768xf32> -> vector<256x768xf32>
    %get3A_21 = arith.constant 0 : index
    %get3A_22 = arith.constant 0 : index
    %get3A_23 = vector.load %arg5[%get3A_21, %get3A_22] : memref<8x768xf32, #tpu.memory_space<vmem>>, vector<1x768xf32>
    %add3A_24 = vector.broadcast %get3A_23 : vector<1x768xf32> to vector<256x768xf32>
    %add3A_25 = arith.addf %dot_general3A_20, %add3A_24 : vector<256x768xf32>
    %mul3A = vector.broadcast %slice3A : vector<256x1xf32> to vector<256x768xf32>
    %mul3A_26 = arith.mulf %mul3A, %add3A_25 : vector<256x768xf32>
    %add3A_27 = arith.addf %get3A_12, %mul3A_26 : vector<256x768xf32>
    %slice3A_28 = vector.extract_strided_slice %dot_general3A_6 {offsets = [0, 1], sizes = [256, 1], strides = [1, 1]} : vector<256x8xf32> to vector<256x1xf32>
    %get3A_29 = arith.constant 1 : index
    %get3A_30 = arith.constant 0 : index
    %get3A_31 = arith.constant 0 : index
    %get3A_32 = vector.load %arg4[%get3A_29, %get3A_30, %get3A_31] : memref<8x768x768xf32, #tpu.memory_space<vmem>>, vector<1x768x768xf32>
    %get3A_33 = vector.shape_cast %get3A_32 : vector<1x768x768xf32> to vector<768x768xf32>
    %convert_element_type3A_34 = arith.truncf %get3A_33 : vector<768x768xf32> to vector<768x768xbf16>
    %dot_general3A_35 = arith.constant dense<0.000000e+00> : vector<256x768xf32>
    %dot_general3A_36 = tpu.matmul %get3A_9, %convert_element_type3A_34, %dot_general3A_35 {dimension_numbers = #tpu.dot_dimension_numbers<[1], [0], [0], [1], [0, 0, 1, 1], [], []>, transpose_lhs_hint = false} : vector<256x768xbf16>, vector<768x768xbf16>, vector<256x768xf32> -> vector<256x768xf32>
    %get3A_37 = arith.constant 1 : index
    %get3A_38 = arith.constant 0 : index
    %get3A_39 = vector.load %arg5[%get3A_37, %get3A_38] : memref<8x768xf32, #tpu.memory_space<vmem>>, vector<1x768xf32>
    %add3A_40 = vector.broadcast %get3A_39 : vector<1x768xf32> to vector<256x768xf32>
    %add3A_41 = arith.addf %dot_general3A_36, %add3A_40 : vector<256x768xf32>
    %mul3A_42 = vector.broadcast %slice3A_28 : vector<256x1xf32> to vector<256x768xf32>
    %mul3A_43 = arith.mulf %mul3A_42, %add3A_41 : vector<256x768xf32>
    %add3A_44 = arith.addf %add3A_27, %mul3A_43 : vector<256x768xf32>
    %slice3A_45 = vector.extract_strided_slice %dot_general3A_6 {offsets = [0, 2], sizes = [256, 1], strides = [1, 1]} : vector<256x8xf32> to vector<256x1xf32>
    %get3A_46 = arith.constant 2 : index
    %get3A_47 = arith.constant 0 : index
    %get3A_48 = arith.constant 0 : index
    %get3A_49 = vector.load %arg4[%get3A_46, %get3A_47, %get3A_48] : memref<8x768x768xf32, #tpu.memory_space<vmem>>, vector<1x768x768xf32>
    %get3A_50 = vector.shape_cast %get3A_49 : vector<1x768x768xf32> to vector<768x768xf32>
    %convert_element_type3A_51 = arith.truncf %get3A_50 : vector<768x768xf32> to vector<768x768xbf16>
    %dot_general3A_52 = arith.constant dense<0.000000e+00> : vector<256x768xf32>
    %dot_general3A_53 = tpu.matmul %get3A_9, %convert_element_type3A_51, %dot_general3A_52 {dimension_numbers = #tpu.dot_dimension_numbers<[1], [0], [0], [1], [0, 0, 1, 1], [], []>, transpose_lhs_hint = false} : vector<256x768xbf16>, vector<768x768xbf16>, vector<256x768xf32> -> vector<256x768xf32>
    %get3A_54 = arith.constant 2 : index
    %get3A_55 = arith.constant 0 : index
    %get3A_56 = vector.load %arg5[%get3A_54, %get3A_55] : memref<8x768xf32, #tpu.memory_space<vmem>>, vector<1x768xf32>
    %add3A_57 = vector.broadcast %get3A_56 : vector<1x768xf32> to vector<256x768xf32>
    %add3A_58 = arith.addf %dot_general3A_53, %add3A_57 : vector<256x768xf32>
    %mul3A_59 = vector.broadcast %slice3A_45 : vector<256x1xf32> to vector<256x768xf32>
    %mul3A_60 = arith.mulf %mul3A_59, %add3A_58 : vector<256x768xf32>
    %add3A_61 = arith.addf %add3A_44, %mul3A_60 : vector<256x768xf32>
    %slice3A_62 = vector.extract_strided_slice %dot_general3A_6 {offsets = [0, 3], sizes = [256, 1], strides = [1, 1]} : vector<256x8xf32> to vector<256x1xf32>
    %get3A_63 = arith.constant 3 : index
    %get3A_64 = arith.constant 0 : index
    %get3A_65 = arith.constant 0 : index
    %get3A_66 = vector.load %arg4[%get3A_63, %get3A_64, %get3A_65] : memref<8x768x768xf32, #tpu.memory_space<vmem>>, vector<1x768x768xf32>
    %get3A_67 = vector.shape_cast %get3A_66 : vector<1x768x768xf32> to vector<768x768xf32>
    %convert_element_type3A_68 = arith.truncf %get3A_67 : vector<768x768xf32> to vector<768x768xbf16>
    %dot_general3A_69 = arith.constant dense<0.000000e+00> : vector<256x768xf32>
    %dot_general3A_70 = tpu.matmul %get3A_9, %convert_element_type3A_68, %dot_general3A_69 {dimension_numbers = #tpu.dot_dimension_numbers<[1], [0], [0], [1], [0, 0, 1, 1], [], []>, transpose_lhs_hint = false} : vector<256x768xbf16>, vector<768x768xbf16>, vector<256x768xf32> -> vector<256x768xf32>
    %get3A_71 = arith.constant 3 : index
    %get3A_72 = arith.constant 0 : index
    %get3A_73 = vector.load %arg5[%get3A_71, %get3A_72] : memref<8x768xf32, #tpu.memory_space<vmem>>, vector<1x768xf32>
    %add3A_74 = vector.broadcast %get3A_73 : vector<1x768xf32> to vector<256x768xf32>
    %add3A_75 = arith.addf %dot_general3A_70, %add3A_74 : vector<256x768xf32>
    %mul3A_76 = vector.broadcast %slice3A_62 : vector<256x1xf32> to vector<256x768xf32>
    %mul3A_77 = arith.mulf %mul3A_76, %add3A_75 : vector<256x768xf32>
    %add3A_78 = arith.addf %add3A_61, %mul3A_77 : vector<256x768xf32>
    %slice3A_79 = vector.extract_strided_slice %dot_general3A_6 {offsets = [0, 4], sizes = [256, 1], strides = [1, 1]} : vector<256x8xf32> to vector<256x1xf32>
    %get3A_80 = arith.constant 4 : index
    %get3A_81 = arith.constant 0 : index
    %get3A_82 = arith.constant 0 : index
    %get3A_83 = vector.load %arg4[%get3A_80, %get3A_81, %get3A_82] : memref<8x768x768xf32, #tpu.memory_space<vmem>>, vector<1x768x768xf32>
    %get3A_84 = vector.shape_cast %get3A_83 : vector<1x768x768xf32> to vector<768x768xf32>
    %convert_element_type3A_85 = arith.truncf %get3A_84 : vector<768x768xf32> to vector<768x768xbf16>
    %dot_general3A_86 = arith.constant dense<0.000000e+00> : vector<256x768xf32>
    %dot_general3A_87 = tpu.matmul %get3A_9, %convert_element_type3A_85, %dot_general3A_86 {dimension_numbers = #tpu.dot_dimension_numbers<[1], [0], [0], [1], [0, 0, 1, 1], [], []>, transpose_lhs_hint = false} : vector<256x768xbf16>, vector<768x768xbf16>, vector<256x768xf32> -> vector<256x768xf32>
    %get3A_88 = arith.constant 4 : index
    %get3A_89 = arith.constant 0 : index
    %get3A_90 = vector.load %arg5[%get3A_88, %get3A_89] : memref<8x768xf32, #tpu.memory_space<vmem>>, vector<1x768xf32>
    %add3A_91 = vector.broadcast %get3A_90 : vector<1x768xf32> to vector<256x768xf32>
    %add3A_92 = arith.addf %dot_general3A_87, %add3A_91 : vector<256x768xf32>
    %mul3A_93 = vector.broadcast %slice3A_79 : vector<256x1xf32> to vector<256x768xf32>
    %mul3A_94 = arith.mulf %mul3A_93, %add3A_92 : vector<256x768xf32>
    %add3A_95 = arith.addf %add3A_78, %mul3A_94 : vector<256x768xf32>
    %slice3A_96 = vector.extract_strided_slice %dot_general3A_6 {offsets = [0, 5], sizes = [256, 1], strides = [1, 1]} : vector<256x8xf32> to vector<256x1xf32>
    %get3A_97 = arith.constant 5 : index
    %get3A_98 = arith.constant 0 : index
    %get3A_99 = arith.constant 0 : index
    %get3A_100 = vector.load %arg4[%get3A_97, %get3A_98, %get3A_99] : memref<8x768x768xf32, #tpu.memory_space<vmem>>, vector<1x768x768xf32>
    %get3A_101 = vector.shape_cast %get3A_100 : vector<1x768x768xf32> to vector<768x768xf32>
    %convert_element_type3A_102 = arith.truncf %get3A_101 : vector<768x768xf32> to vector<768x768xbf16>
    %dot_general3A_103 = arith.constant dense<0.000000e+00> : vector<256x768xf32>
    %dot_general3A_104 = tpu.matmul %get3A_9, %convert_element_type3A_102, %dot_general3A_103 {dimension_numbers = #tpu.dot_dimension_numbers<[1], [0], [0], [1], [0, 0, 1, 1], [], []>, transpose_lhs_hint = false} : vector<256x768xbf16>, vector<768x768xbf16>, vector<256x768xf32> -> vector<256x768xf32>
    %get3A_105 = arith.constant 5 : index
    %get3A_106 = arith.constant 0 : index
    %get3A_107 = vector.load %arg5[%get3A_105, %get3A_106] : memref<8x768xf32, #tpu.memory_space<vmem>>, vector<1x768xf32>
    %add3A_108 = vector.broadcast %get3A_107 : vector<1x768xf32> to vector<256x768xf32>
    %add3A_109 = arith.addf %dot_general3A_104, %add3A_108 : vector<256x768xf32>
    %mul3A_110 = vector.broadcast %slice3A_96 : vector<256x1xf32> to vector<256x768xf32>
    %mul3A_111 = arith.mulf %mul3A_110, %add3A_109 : vector<256x768xf32>
    %add3A_112 = arith.addf %add3A_95, %mul3A_111 : vector<256x768xf32>
    %slice3A_113 = vector.extract_strided_slice %dot_general3A_6 {offsets = [0, 6], sizes = [256, 1], strides = [1, 1]} : vector<256x8xf32> to vector<256x1xf32>
    %get3A_114 = arith.constant 6 : index
    %get3A_115 = arith.constant 0 : index
    %get3A_116 = arith.constant 0 : index
    %get3A_117 = vector.load %arg4[%get3A_114, %get3A_115, %get3A_116] : memref<8x768x768xf32, #tpu.memory_space<vmem>>, vector<1x768x768xf32>
    %get3A_118 = vector.shape_cast %get3A_117 : vector<1x768x768xf32> to vector<768x768xf32>
    %convert_element_type3A_119 = arith.truncf %get3A_118 : vector<768x768xf32> to vector<768x768xbf16>
    %dot_general3A_120 = arith.constant dense<0.000000e+00> : vector<256x768xf32>
    %dot_general3A_121 = tpu.matmul %get3A_9, %convert_element_type3A_119, %dot_general3A_120 {dimension_numbers = #tpu.dot_dimension_numbers<[1], [0], [0], [1], [0, 0, 1, 1], [], []>, transpose_lhs_hint = false} : vector<256x768xbf16>, vector<768x768xbf16>, vector<256x768xf32> -> vector<256x768xf32>
    %get3A_122 = arith.constant 6 : index
    %get3A_123 = arith.constant 0 : index
    %get3A_124 = vector.load %arg5[%get3A_122, %get3A_123] : memref<8x768xf32, #tpu.memory_space<vmem>>, vector<1x768xf32>
    %add3A_125 = vector.broadcast %get3A_124 : vector<1x768xf32> to vector<256x768xf32>
    %add3A_126 = arith.addf %dot_general3A_121, %add3A_125 : vector<256x768xf32>
    %mul3A_127 = vector.broadcast %slice3A_113 : vector<256x1xf32> to vector<256x768xf32>
    %mul3A_128 = arith.mulf %mul3A_127, %add3A_126 : vector<256x768xf32>
    %add3A_129 = arith.addf %add3A_112, %mul3A_128 : vector<256x768xf32>
    %slice3A_130 = vector.extract_strided_slice %dot_general3A_6 {offsets = [0, 7], sizes = [256, 1], strides = [1, 1]} : vector<256x8xf32> to vector<256x1xf32>
    %get3A_131 = arith.constant 7 : index
    %get3A_132 = arith.constant 0 : index
    %get3A_133 = arith.constant 0 : index
    %get3A_134 = vector.load %arg4[%get3A_131, %get3A_132, %get3A_133] : memref<8x768x768xf32, #tpu.memory_space<vmem>>, vector<1x768x768xf32>
    %get3A_135 = vector.shape_cast %get3A_134 : vector<1x768x768xf32> to vector<768x768xf32>
    %convert_element_type3A_136 = arith.truncf %get3A_135 : vector<768x768xf32> to vector<768x768xbf16>
    %dot_general3A_137 = arith.constant dense<0.000000e+00> : vector<256x768xf32>
    %dot_general3A_138 = tpu.matmul %get3A_9, %convert_element_type3A_136, %dot_general3A_137 {dimension_numbers = #tpu.dot_dimension_numbers<[1], [0], [0], [1], [0, 0, 1, 1], [], []>, transpose_lhs_hint = false} : vector<256x768xbf16>, vector<768x768xbf16>, vector<256x768xf32> -> vector<256x768xf32>
    %get3A_139 = arith.constant 7 : index
    %get3A_140 = arith.constant 0 : index
    %get3A_141 = vector.load %arg5[%get3A_139, %get3A_140] : memref<8x768xf32, #tpu.memory_space<vmem>>, vector<1x768xf32>
    %add3A_142 = vector.broadcast %get3A_141 : vector<1x768xf32> to vector<256x768xf32>
    %add3A_143 = arith.addf %dot_general3A_138, %add3A_142 : vector<256x768xf32>
    %mul3A_144 = vector.broadcast %slice3A_130 : vector<256x1xf32> to vector<256x768xf32>
    %mul3A_145 = arith.mulf %mul3A_144, %add3A_143 : vector<256x768xf32>
    %add3A_146 = arith.addf %add3A_129, %mul3A_145 : vector<256x768xf32>
    %swap3A = arith.constant 0 : index
    %swap3A_147 = arith.constant 0 : index
    %swap3A_148 = vector.load %arg6[%swap3A, %swap3A_147] : memref<256x768xf32, #tpu.memory_space<vmem>>, vector<256x768xf32>
    tpu.vector_store %arg6[%swap3A, %swap3A_147], %add3A_146 {strides = array<i32>} : memref<256x768xf32, #tpu.memory_space<vmem>>, vector<256x768xf32>,
    return
  }
  func.func @transform_0(%arg0: i32) -> (i32, i32) {
    %c0_i32 = arith.constant 0 : i32
    %c0_i32_0 = arith.constant 0 : i32
    return %arg0, %c0_i32 : i32, i32
  }
  func.func @transform_1(%arg0: i32) -> (i32, i32) {
    %c0_i32 = arith.constant 0 : i32
    %c0_i32_0 = arith.constant 0 : i32
    return %c0_i32, %arg0 : i32, i32
  }
  func.func @transform_2(%arg0: i32) -> (i32, i32) {
    %c0_i32 = arith.constant 0 : i32
    %c0_i32_0 = arith.constant 0 : i32
    return %arg0, %c0_i32 : i32, i32
  }
  func.func @transform_3(%arg0: i32) -> (i32, i32, i32) {
    %c0_i32 = arith.constant 0 : i32
    %c0_i32_0 = arith.constant 0 : i32
    %c0_i32_1 = arith.constant 0 : i32
    %c0_i32_2 = arith.constant 0 : i32
    return %c0_i32, %c0_i32_0, %c0_i32_1 : i32, i32, i32
  }
  func.func @transform_4(%arg0: i32) -> (i32, i32) {
    %c0_i32 = arith.constant 0 : i32
    %c0_i32_0 = arith.constant 0 : i32
    %c0_i32_1 = arith.constant 0 : i32
    return %c0_i32, %c0_i32_0 : i32, i32
  }
  func.func @transform_5(%arg0: i32) -> (i32, i32) {
    %c0_i32 = arith.constant 0 : i32
    %c0_i32_0 = arith.constant 0 : i32
    return %arg0, %c0_i32 : i32, i32
  }
}

module attributes {stable_mosaic.version = 14 : i64} {
  func.func @_ln_qkv_body(%arg0: i32, %arg1: memref<256x768xf32, #tpu.memory_space<vmem>>, %arg2: memref<768x768xf32, #tpu.memory_space<vmem>>, %arg3: memref<1x768xf32, #tpu.memory_space<vmem>>, %arg4: memref<768x768xf32, #tpu.memory_space<vmem>>, %arg5: memref<1x768xf32, #tpu.memory_space<vmem>>, %arg6: memref<768x768xf32, #tpu.memory_space<vmem>>, %arg7: memref<1x768xf32, #tpu.memory_space<vmem>>, %arg8: memref<768x8xf32, #tpu.memory_space<vmem>>, %arg9: memref<8x1xf32, #tpu.memory_space<vmem>>, %arg10: memref<1x768xf32, #tpu.memory_space<vmem>>, %arg11: memref<1x768xf32, #tpu.memory_space<vmem>>, %arg12: memref<256x768xbf16, #tpu.memory_space<vmem>>, %arg13: memref<256x768xbf16, #tpu.memory_space<vmem>>, %arg14: memref<256x768xbf16, #tpu.memory_space<vmem>>, %arg15: memref<8x256xf32, #tpu.memory_space<vmem>>) attributes {dimension_semantics = [#tpu.dimension_semantics<arbitrary>], iteration_bounds = array<i64: 8>, scalar_prefetch = 0 : i64, scratch_operands = 0 : i64, tpu.core_type = #tpu.core_type<tc>, window_params = [{transform_indices = @transform_0, window_bounds = array<i64: 256, 768>}, {pipeline_mode = #tpu.pipeline_mode<synchronous>, transform_indices = @transform_1, window_bounds = array<i64: 768, 768>}, {pipeline_mode = #tpu.pipeline_mode<synchronous>, transform_indices = @transform_2, window_bounds = array<i64: 1, 768>}, {pipeline_mode = #tpu.pipeline_mode<synchronous>, transform_indices = @transform_3, window_bounds = array<i64: 768, 768>}, {pipeline_mode = #tpu.pipeline_mode<synchronous>, transform_indices = @transform_4, window_bounds = array<i64: 1, 768>}, {pipeline_mode = #tpu.pipeline_mode<synchronous>, transform_indices = @transform_5, window_bounds = array<i64: 768, 768>}, {pipeline_mode = #tpu.pipeline_mode<synchronous>, transform_indices = @transform_6, window_bounds = array<i64: 1, 768>}, {pipeline_mode = #tpu.pipeline_mode<synchronous>, transform_indices = @transform_7, window_bounds = array<i64: 768, 8>}, {pipeline_mode = #tpu.pipeline_mode<synchronous>, transform_indices = @transform_8, window_bounds = array<i64: 8, 1>}, {pipeline_mode = #tpu.pipeline_mode<synchronous>, transform_indices = @transform_9, window_bounds = array<i64: 1, 768>}, {pipeline_mode = #tpu.pipeline_mode<synchronous>, transform_indices = @transform_10, window_bounds = array<i64: 1, 768>}, {transform_indices = @transform_11, window_bounds = array<i64: 256, 768>}, {transform_indices = @transform_12, window_bounds = array<i64: 256, 768>}, {transform_indices = @transform_13, window_bounds = array<i64: 256, 768>}, {transform_indices = @transform_14, window_bounds = array<i64: 8, 256>}]} {
    %get3A = arith.constant 0 : index
    %get3A_0 = arith.constant 0 : index
    %get3A_1 = vector.load %arg1[%get3A, %get3A_0] : memref<256x768xf32, #tpu.memory_space<vmem>>, vector<256x768xf32>
    %reduce_sum3A = arith.constant dense<0.000000e+00> : vector<256xf32>
    %reduce_sum3A_2 = vector.multi_reduction <add>, %get3A_1, %reduce_sum3A [1] : vector<256x768xf32> to vector<256xf32>
    %broadcast_in_dim3A = vector.shape_cast %reduce_sum3A_2 : vector<256xf32> to vector<256x1xf32>
    %div3A = arith.constant 7.680000e+02 : f32
    %div3A_3 = vector.broadcast %div3A : f32 to vector<256x1xf32>
    %div3A_4 = arith.divf %broadcast_in_dim3A, %div3A_3 : vector<256x1xf32>
    %sub3A = vector.broadcast %div3A_4 : vector<256x1xf32> to vector<256x768xf32>
    %sub3A_5 = arith.subf %get3A_1, %sub3A : vector<256x768xf32>
    %mul3A = arith.mulf %sub3A_5, %sub3A_5 : vector<256x768xf32>
    %reduce_sum3A_6 = arith.constant dense<0.000000e+00> : vector<256xf32>
    %reduce_sum3A_7 = vector.multi_reduction <add>, %mul3A, %reduce_sum3A_6 [1] : vector<256x768xf32> to vector<256xf32>
    %broadcast_in_dim3A_8 = vector.shape_cast %reduce_sum3A_7 : vector<256xf32> to vector<256x1xf32>
    %div3A_9 = arith.constant 7.680000e+02 : f32
    %div3A_10 = vector.broadcast %div3A_9 : f32 to vector<256x1xf32>
    %div3A_11 = arith.divf %broadcast_in_dim3A_8, %div3A_10 : vector<256x1xf32>
    %add3A = arith.constant 9.99999974E-6 : f32
    %add3A_12 = vector.broadcast %add3A : f32 to vector<256x1xf32>
    %add3A_13 = arith.addf %div3A_11, %add3A_12 : vector<256x1xf32>
    %rsqrt3A = math.rsqrt %add3A_13 : vector<256x1xf32>
    %mul3A_14 = vector.broadcast %rsqrt3A : vector<256x1xf32> to vector<256x768xf32>
    %mul3A_15 = arith.mulf %sub3A_5, %mul3A_14 : vector<256x768xf32>
    %get3A_16 = arith.constant 0 : index
    %get3A_17 = arith.constant 0 : index
    %get3A_18 = vector.load %arg10[%get3A_16, %get3A_17] : memref<1x768xf32, #tpu.memory_space<vmem>>, vector<1x768xf32>
    %mul3A_19 = vector.broadcast %get3A_18 : vector<1x768xf32> to vector<256x768xf32>
    %mul3A_20 = arith.mulf %mul3A_15, %mul3A_19 : vector<256x768xf32>
    %get3A_21 = arith.constant 0 : index
    %get3A_22 = arith.constant 0 : index
    %get3A_23 = vector.load %arg11[%get3A_21, %get3A_22] : memref<1x768xf32, #tpu.memory_space<vmem>>, vector<1x768xf32>
    %add3A_24 = vector.broadcast %get3A_23 : vector<1x768xf32> to vector<256x768xf32>
    %add3A_25 = arith.addf %mul3A_20, %add3A_24 : vector<256x768xf32>
    %convert_element_type3A = arith.truncf %add3A_25 : vector<256x768xf32> to vector<256x768xbf16>
    %get3A_26 = arith.constant 0 : index
    %get3A_27 = arith.constant 0 : index
    %get3A_28 = vector.load %arg2[%get3A_26, %get3A_27] : memref<768x768xf32, #tpu.memory_space<vmem>>, vector<768x768xf32>
    %convert_element_type3A_29 = arith.truncf %get3A_28 : vector<768x768xf32> to vector<768x768xbf16>
    %dot_general3A = arith.constant dense<0.000000e+00> : vector<256x768xf32>
    %dot_general3A_30 = tpu.matmul %convert_element_type3A, %convert_element_type3A_29, %dot_general3A {dimension_numbers = #tpu.dot_dimension_numbers<[1], [0], [0], [1], [0, 0, 1, 1], [], []>, transpose_lhs_hint = false} : vector<256x768xbf16>, vector<768x768xbf16>, vector<256x768xf32> -> vector<256x768xf32>
    %get3A_31 = arith.constant 0 : index
    %get3A_32 = arith.constant 0 : index
    %get3A_33 = vector.load %arg3[%get3A_31, %get3A_32] : memref<1x768xf32, #tpu.memory_space<vmem>>, vector<1x768xf32>
    %add3A_34 = vector.broadcast %get3A_33 : vector<1x768xf32> to vector<256x768xf32>
    %add3A_35 = arith.addf %dot_general3A_30, %add3A_34 : vector<256x768xf32>
    %mul3A_36 = arith.constant 0.180336878 : f32
    %mul3A_37 = vector.broadcast %mul3A_36 : f32 to vector<256x768xf32>
    %mul3A_38 = arith.mulf %add3A_35, %mul3A_37 : vector<256x768xf32>
    %convert_element_type3A_39 = arith.truncf %mul3A_38 : vector<256x768xf32> to vector<256x768xbf16>
    %swap3A = arith.constant 0 : index
    %swap3A_40 = arith.constant 0 : index
    %swap3A_41 = vector.load %arg12[%swap3A, %swap3A_40] : memref<256x768xbf16, #tpu.memory_space<vmem>>, vector<256x768xbf16>
    tpu.vector_store %arg12[%swap3A, %swap3A_40], %convert_element_type3A_39 {strides = array<i32>} : memref<256x768xbf16, #tpu.memory_space<vmem>>, vector<256x768xbf16>,
    %get3A_42 = arith.constant 0 : index
    %get3A_43 = arith.constant 0 : index
    %get3A_44 = vector.load %arg4[%get3A_42, %get3A_43] : memref<768x768xf32, #tpu.memory_space<vmem>>, vector<768x768xf32>
    %convert_element_type3A_45 = arith.truncf %get3A_44 : vector<768x768xf32> to vector<768x768xbf16>
    %dot_general3A_46 = arith.constant dense<0.000000e+00> : vector<256x768xf32>
    %dot_general3A_47 = tpu.matmul %convert_element_type3A, %convert_element_type3A_45, %dot_general3A_46 {dimension_numbers = #tpu.dot_dimension_numbers<[1], [0], [0], [1], [0, 0, 1, 1], [], []>, transpose_lhs_hint = false} : vector<256x768xbf16>, vector<768x768xbf16>, vector<256x768xf32> -> vector<256x768xf32>
    %get3A_48 = arith.constant 0 : index
    %get3A_49 = arith.constant 0 : index
    %get3A_50 = vector.load %arg5[%get3A_48, %get3A_49] : memref<1x768xf32, #tpu.memory_space<vmem>>, vector<1x768xf32>
    %add3A_51 = vector.broadcast %get3A_50 : vector<1x768xf32> to vector<256x768xf32>
    %add3A_52 = arith.addf %dot_general3A_47, %add3A_51 : vector<256x768xf32>
    %convert_element_type3A_53 = arith.truncf %add3A_52 : vector<256x768xf32> to vector<256x768xbf16>
    %swap3A_54 = arith.constant 0 : index
    %swap3A_55 = arith.constant 0 : index
    %swap3A_56 = vector.load %arg13[%swap3A_54, %swap3A_55] : memref<256x768xbf16, #tpu.memory_space<vmem>>, vector<256x768xbf16>
    tpu.vector_store %arg13[%swap3A_54, %swap3A_55], %convert_element_type3A_53 {strides = array<i32>} : memref<256x768xbf16, #tpu.memory_space<vmem>>, vector<256x768xbf16>,
    %get3A_57 = arith.constant 0 : index
    %get3A_58 = arith.constant 0 : index
    %get3A_59 = vector.load %arg6[%get3A_57, %get3A_58] : memref<768x768xf32, #tpu.memory_space<vmem>>, vector<768x768xf32>
    %convert_element_type3A_60 = arith.truncf %get3A_59 : vector<768x768xf32> to vector<768x768xbf16>
    %dot_general3A_61 = arith.constant dense<0.000000e+00> : vector<256x768xf32>
    %dot_general3A_62 = tpu.matmul %convert_element_type3A, %convert_element_type3A_60, %dot_general3A_61 {dimension_numbers = #tpu.dot_dimension_numbers<[1], [0], [0], [1], [0, 0, 1, 1], [], []>, transpose_lhs_hint = false} : vector<256x768xbf16>, vector<768x768xbf16>, vector<256x768xf32> -> vector<256x768xf32>
    %get3A_63 = arith.constant 0 : index
    %get3A_64 = arith.constant 0 : index
    %get3A_65 = vector.load %arg7[%get3A_63, %get3A_64] : memref<1x768xf32, #tpu.memory_space<vmem>>, vector<1x768xf32>
    %add3A_66 = vector.broadcast %get3A_65 : vector<1x768xf32> to vector<256x768xf32>
    %add3A_67 = arith.addf %dot_general3A_62, %add3A_66 : vector<256x768xf32>
    %convert_element_type3A_68 = arith.truncf %add3A_67 : vector<256x768xf32> to vector<256x768xbf16>
    %swap3A_69 = arith.constant 0 : index
    %swap3A_70 = arith.constant 0 : index
    %swap3A_71 = vector.load %arg14[%swap3A_69, %swap3A_70] : memref<256x768xbf16, #tpu.memory_space<vmem>>, vector<256x768xbf16>
    tpu.vector_store %arg14[%swap3A_69, %swap3A_70], %convert_element_type3A_68 {strides = array<i32>} : memref<256x768xbf16, #tpu.memory_space<vmem>>, vector<256x768xbf16>,
    %get3A_72 = arith.constant 0 : index
    %get3A_73 = arith.constant 0 : index
    %get3A_74 = vector.load %arg8[%get3A_72, %get3A_73] : memref<768x8xf32, #tpu.memory_space<vmem>>, vector<768x8xf32>
    %dot_general3A_75 = arith.constant dense<0.000000e+00> : vector<8x256xf32>
    %dot_general3A_76 = tpu.matmul %get3A_74, %add3A_25, %dot_general3A_75 {dimension_numbers = #tpu.dot_dimension_numbers<[0], [1], [1], [0], [0, 1, 1, 0], [], []>, transpose_lhs_hint = false} : vector<768x8xf32>, vector<256x768xf32>, vector<8x256xf32> -> vector<8x256xf32>
    %get3A_77 = arith.constant 0 : index
    %get3A_78 = arith.constant 0 : index
    %get3A_79 = vector.load %arg9[%get3A_77, %get3A_78] : memref<8x1xf32, #tpu.memory_space<vmem>>, vector<8x1xf32>
    %add3A_80 = vector.broadcast %get3A_79 : vector<8x1xf32> to vector<8x256xf32>
    %add3A_81 = arith.addf %dot_general3A_76, %add3A_80 : vector<8x256xf32>
    %swap3A_82 = arith.constant 0 : index
    %swap3A_83 = arith.constant 0 : index
    %swap3A_84 = vector.load %arg15[%swap3A_82, %swap3A_83] : memref<8x256xf32, #tpu.memory_space<vmem>>, vector<8x256xf32>
    tpu.vector_store %arg15[%swap3A_82, %swap3A_83], %add3A_81 {strides = array<i32>} : memref<8x256xf32, #tpu.memory_space<vmem>>, vector<8x256xf32>,
    return
  }
  func.func @transform_0(%arg0: i32) -> (i32, i32) {
    %c0_i32 = arith.constant 0 : i32
    %c0_i32_0 = arith.constant 0 : i32
    return %arg0, %c0_i32 : i32, i32
  }
  func.func @transform_1(%arg0: i32) -> (i32, i32) {
    %c0_i32 = arith.constant 0 : i32
    %c0_i32_0 = arith.constant 0 : i32
    %c0_i32_1 = arith.constant 0 : i32
    return %c0_i32, %c0_i32_0 : i32, i32
  }
  func.func @transform_2(%arg0: i32) -> (i32, i32) {
    %c0_i32 = arith.constant 0 : i32
    %c0_i32_0 = arith.constant 0 : i32
    %c0_i32_1 = arith.constant 0 : i32
    return %c0_i32, %c0_i32_0 : i32, i32
  }
  func.func @transform_3(%arg0: i32) -> (i32, i32) {
    %c0_i32 = arith.constant 0 : i32
    %c0_i32_0 = arith.constant 0 : i32
    %c0_i32_1 = arith.constant 0 : i32
    return %c0_i32, %c0_i32_0 : i32, i32
  }
  func.func @transform_4(%arg0: i32) -> (i32, i32) {
    %c0_i32 = arith.constant 0 : i32
    %c0_i32_0 = arith.constant 0 : i32
    %c0_i32_1 = arith.constant 0 : i32
    return %c0_i32, %c0_i32_0 : i32, i32
  }
  func.func @transform_5(%arg0: i32) -> (i32, i32) {
    %c0_i32 = arith.constant 0 : i32
    %c0_i32_0 = arith.constant 0 : i32
    %c0_i32_1 = arith.constant 0 : i32
    return %c0_i32, %c0_i32_0 : i32, i32
  }
  func.func @transform_6(%arg0: i32) -> (i32, i32) {
    %c0_i32 = arith.constant 0 : i32
    %c0_i32_0 = arith.constant 0 : i32
    %c0_i32_1 = arith.constant 0 : i32
    return %c0_i32, %c0_i32_0 : i32, i32
  }
  func.func @transform_7(%arg0: i32) -> (i32, i32) {
    %c0_i32 = arith.constant 0 : i32
    %c0_i32_0 = arith.constant 0 : i32
    %c0_i32_1 = arith.constant 0 : i32
    return %c0_i32, %c0_i32_0 : i32, i32
  }
  func.func @transform_8(%arg0: i32) -> (i32, i32) {
    %c0_i32 = arith.constant 0 : i32
    %c0_i32_0 = arith.constant 0 : i32
    %c0_i32_1 = arith.constant 0 : i32
    return %c0_i32, %c0_i32_0 : i32, i32
  }
  func.func @transform_9(%arg0: i32) -> (i32, i32) {
    %c0_i32 = arith.constant 0 : i32
    %c0_i32_0 = arith.constant 0 : i32
    %c0_i32_1 = arith.constant 0 : i32
    return %c0_i32, %c0_i32_0 : i32, i32
  }
  func.func @transform_10(%arg0: i32) -> (i32, i32) {
    %c0_i32 = arith.constant 0 : i32
    %c0_i32_0 = arith.constant 0 : i32
    %c0_i32_1 = arith.constant 0 : i32
    return %c0_i32, %c0_i32_0 : i32, i32
  }
  func.func @transform_11(%arg0: i32) -> (i32, i32) {
    %c0_i32 = arith.constant 0 : i32
    %c0_i32_0 = arith.constant 0 : i32
    return %arg0, %c0_i32 : i32, i32
  }
  func.func @transform_12(%arg0: i32) -> (i32, i32) {
    %c0_i32 = arith.constant 0 : i32
    %c0_i32_0 = arith.constant 0 : i32
    return %arg0, %c0_i32 : i32, i32
  }
  func.func @transform_13(%arg0: i32) -> (i32, i32) {
    %c0_i32 = arith.constant 0 : i32
    %c0_i32_0 = arith.constant 0 : i32
    return %arg0, %c0_i32 : i32, i32
  }
  func.func @transform_14(%arg0: i32) -> (i32, i32) {
    %c0_i32 = arith.constant 0 : i32
    %c0_i32_0 = arith.constant 0 : i32
    return %c0_i32, %arg0 : i32, i32
  }
}

</mosaic_0001>

<sc_bundles>
// kernel: kernel.6.cloned.1.call-start
scs
__scs_entry_jumppad:
0x0: {  	(pc) =	sbr.rel $0x88, $3  }
0x1: {  	(tag) =	ssettag $0x0;
	lr =	simm.s32 $0x1  }
0x2: {  	[smem:$0x3F94] =	sst lr;
	_ =	strace $0xD0000000  }
0x3: {  	_ = 	snop  }
0x4: {  	_ = 	snop  }
0x5: {  	_ = 	snop  }
0x6: {  	_ = 	snop  }
0x7: {  	_ = 	snop  }
__scs_overlays_trampoline_lowered:
0x8: {  	[smem:$0x3FA3] =	sst s0  }
0x9: {  	[smem:$0x3FA4] =	sst s1  }
0xa: {  	[smem:$0x3FA5] =	sst s2  }
0xb: {  	[smem:$0x3FA6] =	sst s3  }
0xc: {  	[smem:$0x3FA7] =	sst s4  }
0xd: {  	[smem:$0x3FA8] =	sst s5  }
0xe: {  	[smem:$0x3FA9] =	sst s6  }
0xf: {  	[smem:$0x3FAA] =	sst s7  }
0x10: {  	[smem:$0x3FAB] =	sst s8  }
0x11: {  	[smem:$0x3FAC] =	sst s9;
	s0 =	simm.s32 @!p0 $0x0  }
0x12: {  	s1 =	sld [smem:$0x3F92];
	s0 =	simm.s32 @p0 $0x1  }
0x13: {  	[smem:$0x3FAD] =	sst s0;
	s0 =	simm.s32 @!p1 $0x0  }
0x14: {  	s2 =	sld [smem:$0x3F91];
	s0 =	simm.s32 @p1 $0x1  }
0x15: {  	[smem:$0x3FAE] =	sst s0;
	s0 =	simm.s32 @!p2 $0x0  }
0x16: {  	s3 =	sld [smem:$0x3FDB];
	s0 =	simm.s32 @p2 $0x1  }
0x17: {  	s4 =	simm.s32 $0x1BF5;
	[smem:$0x3FB0] =	sst s0  }
0x18: {  	s0 =	sld [smem:$0x3F93];
	_ =	swait.ge [sflag:s4], $0x0  }
0x19: {  	s7 =	sld [smem:$0x3F94]  }
0x1a: {  	s8 =	sadd.s32 $0xFFFFE003, lr  }
0x1b: {  	s9 =	sadd.s32 $0xFFFFFEF7, lr;
	s5 =	simm.s32 $0xFFFFFFFF;
	p2 =	slt.u32 s8, $0xFFFFF086  }
0x1c: {  	p1 =	slt.u32 s9, $0xF7A;
	s5 =	simm.s32 @!p2 $0x0  }
0x1d: {  	s5 =	simm.s32 @p1 $0x1;
	p0 =	seq.s32 s7, s2  }
0x1e: {  	s7 =	smul.u32 @!p0 $0xF7A, s2;
	p2 =	seq.s32 @!p0 s5, $0x0  }
0x1f: {  	s9 =	smul.u32 $0xF7A, s1;
	s8 =	simm.s32 @!p0 $0x1BF5;
	p2 =	por !p2, p0  }
0x20: {  	[sflag:s8] =	ssyncset.s32 @!p0 $0xFFFFF086;
	s6 =	sadd.s32 @!p0 s3, s7;
	s7 =	simm.s32 @!p0 $0x108  }
0x21: {  	s3 =	sadd.s32 s3, s9;
	s6 =	sadd.s32 @!p0 $0x88, s6;
	s7 =	simm.s32 @p2 $0x1082  }
0x22: {  	[simem:s7], [sflag:s8] =	dma.local @!p0 [hbm:s6], $0xF7A  }
0x23: {  	s9 =	sor.u32 $0xD0000000, s2;
	s6 =	simm.s32 $0x108;
	_ =	swait.ge @!p0 [sflag:s8], $0x0  }
0x24: {  	s3 =	sadd.s32 $0x88, s3;
	s6 =	simm.s32 @!p1 $0x1082;
	[sflag:s4] =	ssyncset.s32 $0xFFFFF086  }
0x25: {  	[simem:s6], [sflag:s4] =	dma.local [hbm:s3], $0xF7A  }
0x26: {  	[smem:$0x3F94] =	sst s1;
	(tag) =	ssettag s2;
	_ =	strace s9  }
0x27: {  	s1 =	sld [smem:$0x3FA4]  }
0x28: {  	s2 =	sld [smem:$0x3FA5]  }
0x29: {  	s4 =	sld [smem:$0x3FA7]  }
0x2a: {  	p0 =	seq.s32 s5, $0x0;
	s5 =	sld [smem:$0x3FA8]  }
0x2b: {  	s6 =	sld [smem:$0x3FA9]  }
0x2c: {  	s7 =	sld [smem:$0x3FAA]  }
0x2d: {  	s3 =	simm.s32 $0x108;
	s8 =	sld [smem:$0x3FAB]  }
0x2e: {  	s3 =	simm.s32 @!p0 $0x1082;
	s9 =	sld [smem:$0x3FAC]  }
0x2f: {  	lr =	sadd.s32 s0, s3;
	s0 =	sld [smem:$0x3FA3]  }
0x30: {  	s3 =	sld [smem:$0x3FA6]  }
0x31: {  	[smem:$0x3FAF] =	sst s10  }
0x32: {  	s10 =	sld [smem:$0x3FAD];
	_ =	sdelay $0x3  }
0x33: {  	p0 =	seq.s32 s10, $0x1;
	s10 =	sld [smem:$0x3FAF];
	_ =	sdelay $0x3  }
0x34: {  	[smem:$0x3FAF] =	sst s10  }
0x35: {  	s10 =	sld [smem:$0x3FAE];
	_ =	sdelay $0x3  }
0x36: {  	p1 =	seq.s32 s10, $0x1;
	s10 =	sld [smem:$0x3FAF];
	_ =	sdelay $0x3  }
0x37: {  	[smem:$0x3FAF] =	sst s10  }
0x38: {  	s10 =	sld [smem:$0x3FB0]  }
0x39: {  	_ = 	snop;
	(pc) =	sbr.ind lr, $3  }
0x3a: {  	_ = 	snop  }
0x3b: {  	_ = 	snop  }
0x3c: {  	p2 =	seq.s32 s10, $0x1;
	s10 =	sld [smem:$0x3FAF]  }
0x3d: {  	_ =	shalt  }
0x3e: {  	_ =	shalt  }
0x3f: {  	_ =	shalt  }
0x40: {  	_ =	shalt  }
0x41: {  	_ =	shalt  }
0x42: {  	_ =	shalt  }
0x43: {  	_ =	shalt  }
0x44: {  	_ =	shalt  }
0x45: {  	_ =	shalt  }
0x46: {  	_ =	shalt  }
0x47: {  	_ =	shalt  }
0x48: {  	_ =	shalt  }
0x49: {  	_ =	shalt  }
0x4a: {  	_ =	shalt  }
0x4b: {  	_ =	shalt  }
0x4c: {  	_ =	shalt  }
0x4d: {  	_ =	shalt  }
0x4e: {  	_ =	shalt  }
0x4f: {  	_ =	shalt  }
0x50: {  	_ =	shalt  }
0x51: {  	_ =	shalt  }
0x52: {  	_ =	shalt  }
0x53: {  	_ =	shalt  }
0x54: {  	_ =	shalt  }
0x55: {  	_ =	shalt  }
0x56: {  	_ =	shalt  }
0x57: {  	_ =	shalt  }
0x58: {  	_ =	shalt  }
0x59: {  	_ =	shalt  }
0x5a: {  	_ =	shalt  }
0x5b: {  	_ =	shalt  }
0x5c: {  	_ =	shalt  }
0x5d: {  	_ =	shalt  }
0x5e: {  	_ =	shalt  }
0x5f: {  	_ =	shalt  }
0x60: {  	_ =	shalt  }
0x61: {  	_ =	shalt  }
0x62: {  	_ =	shalt  }
0x63: {  	_ =	shalt  }
0x64: {  	_ =	shalt  }
0x65: {  	_ =	shalt  }
0x66: {  	_ =	shalt  }
0x67: {  	_ =	shalt  }
0x68: {  	_ =	shalt  }
0x69: {  	_ =	shalt  }
0x6a: {  	_ =	shalt  }
0x6b: {  	_ =	shalt  }
0x6c: {  	_ =	shalt  }
0x6d: {  	_ =	shalt  }
0x6e: {  	_ =	shalt  }
0x6f: {  	_ =	shalt  }
0x70: {  	_ =	shalt  }
0x71: {  	_ =	shalt  }
0x72: {  	_ =	shalt  }
0x73: {  	_ =	shalt  }
0x74: {  	_ =	shalt  }
0x75: {  	_ =	shalt  }
0x76: {  	_ =	shalt  }
0x77: {  	_ =	shalt  }
0x78: {  	_ =	shalt  }
0x79: {  	_ =	shalt  }
0x7a: {  	_ =	shalt  }
0x7b: {  	_ =	shalt  }
0x7c: {  	_ =	shalt  }
0x7d: {  	_ =	shalt  }
0x7e: {  	_ =	shalt  }
0x7f: {  	_ =	shalt  }
0x80: {  	_ =	shalt  }
0x81: {  	_ =	shalt  }
0x82: {  	_ =	shalt  }
0x83: {  	_ =	shalt  }
0x84: {  	_ =	shalt  }
0x85: {  	_ =	shalt  }
0x86: {  	_ =	shalt  }
0x87: {  	_ =	shalt  }
.Lfunc_end0:
.L_simem_size_0:
called_computation_lowered:
.L_overlay_start_0:
0x88: {  	s2 =	sld [smem:$0x3FD9]  }
0x89: {  	s3 =	sld [smem:$0x3FFE];
	_ =	sdelay $0x1  }
0x8a: {  	s1 =	srdreg.scid  }
0x8b: {  	s0 =	sand.u32 $0x1, s1  }
0x8c: {  	s17 =	sshll.u32 s0, $0xA;
	s2 =	sadd.s32 s3, s2  }
0x8d: {  	s2 =	sadd.s32 s2, s17  }
0x8e: {  	[smem:$0x3FBB] =	sst s2  }
0x8f: {  	_ = 	snop  }
0x90: {  	s2 =	sld [smem:$0x3FD0];
	(tm) =	ssettm $0x1  }
0x91: {  	s18 =	sld [smem:$0x3FFB];
	_ =	sdelay $0x3  }
0x92: {  	_ =	strace s18  }
0x93: {  	s3 =	sld [smem:$0x3FFC];
	_ =	sdelay $0x3  }
0x94: {  	_ =	strace s3  }
0x95: {  	s3 =	sld [smem:$0x3FFD];
	_ =	sdelay $0x3  }
0x96: {  	_ =	strace s3  }
0x97: {  	_ =	strace $0x8FFFFFFF  }
0x98: {  	s19 =	sld [smem:$0x3FDB];
	_ =	sdelay $0x1  }
0x99: {  	s4 =	simm.s32 $_scs_section_size  }
0x9a: {  	s5 =	simm.s32 $_size__tile_overlayer_lowered;
	s6 =	simm.s32 $_tile_overlayer_lowered  }
0x9b: {  	s22 =	simm.s32 $0x1BFF;
	s21 =	sshll.u32 s6, $0x1;
	s3 =	sadd.s32 s4, s19  }
0x9c: {  	s7 =	simm.s32 $0x0;
	s20 =	sshll.u32 s5, $0x1;
	s5 =	sadd.s32 s21, s3  }
0x9d: {  	[timem:s7], [sflag:s22] =	dma.local [hbm:s5], s20  }
0x9e: {  	_ =	swait.ge [sflag:s22], s20  }
0x9f: {  	s4 =	ssub.s32 $0x0, s20;
	[sflag:s22] =	ssyncset.done $0x0  }
0xa0: {  	[sflag:s22] =	ssyncadd.s32 s4;
	_ =	sdelay $0x1  }
0xa1: {  	s23 =	simm.s32 $0x1B8B  }
0xa2: {  	_ =	swait.ge [sflag:s23], $0x1  }
0xa3: {  	[sflag:s23] =	ssyncset.done $0x0  }
0xa4: {  	s25 =	simm.s32 $0x1B8E;
	s24 =	sld [smem:$0x3FFE];
	[sflag:s23] =	ssyncadd.s32 $0xFFFFFFFF  }
0xa5: {  	s26 =	simm.s32 $execute0_lowered;
	[smem:$0x3FD2] =	sst s25  }
0xa6: {  	s5 =	sshll.u32 s26, $0x1;
	_ =	strace $0x80000046;
	[dreg:$0x1] =	wrdreg $0xFFFFFFFF  }
0xa7: {  	s28 =	simm.s32 $_size_execute0_lowered;
	s3 =	sadd.s32 s3, s5;
	[dreg:$0x0] =	wrdreg $0x0  }
0xa8: {  	s5 =	sshll.u32 s28, $0x1;
	[dreg:$0x2] =	wrdreg s3  }
0xa9: {  	[dreg:$0x3] =	wrdreg s5  }
0xaa: {  	[dreg:$0x4] =	wrdreg $0xC0  }
0xab: {  	_ =	task [dreg:s7], $0x5FFFF  }
0xac: {  	[dreg:$0x1] =	wrdreg $0xFFFFFFFF  }
0xad: {  	[dreg:$0x0] =	wrdreg $0x60  }
0xae: {  	[dreg:$0x2] =	wrdreg s2  }
0xaf: {  	[dreg:$0x3] =	wrdreg s24  }
0xb0: {  	[dreg:$0x4] =	wrdreg $0x9  }
0xb1: {  	_ =	task.clear_ibuf [dreg:s7], $0x5FFFF;
	_ =	strace $0x90000046  }
0xb2: {  	s29 =	simm.s32 $0x9;
	_ =	strace $0x80000048  }
0xb3: {  	_ =	swait.ge [sflag:s29], $0x1  }
0xb4: {  	[sflag:s29] =	ssyncadd.s32 $0xFFFFFFFF  }
0xb5: {  	_ =	strace $0x90000048  }
0xb6: {  	_ =	sfence  }
0xb7: {  	s30 =	sld [smem:$0x0];
	_ =	sdelay $0x2  }
0xb8: {  	s31 =	sshll.u32 s1, $0xD;
	s1 =	sshrl.u32 s1, $0x2  }
0xb9: {  	s3 =	sand.u32 $0x4000, s31;
	s1 =	sadd.s32 s1, s30  }
0xba: {  	s0 =	sor.u32 s3, s0;
	s1 =	sshll.u32 s1, $0x11  }
0xbb: {  	s0 =	sor.u32 s1, s0  }
0xbc: {  	s0 =	sadd.s32 $0x8F2B, s0  }
0xbd: {  	[sflag:s0] =	ssyncadd.remote.s32 $0x1  }
0xbe: {  	_ =	sfence.sel $0xFFFF  }
0xbf: {  	[dreg:$0x0] =	wrdreg $0xFFFFFFFF;
	(pc) =	sbr.abs _section_cstart, $3  }
0xc0: {  	[dreg:$0x1] =	wrdreg $0xFFFFFFFF  }
0xc1: {  	_ =	task.clear_ibuf [dreg:s7], $0x2FFFF;
	_ =	strace $0x9FFFFFFF  }
0xc2: {  	(tm) =	ssettm $0x7FFFFFFF  }
0xc3: {  	_ =	shalt  }
tec
execute0_lowered:
.L_overlay_start_1:
0x0: {  	(tag) =	ssettag $0x1  }
0x1: {  	s0 =	rddreg [dreg:$0x0]  }
0x2: {  	s3 =	rddreg [dreg:$0x1]  }
0x3: {  	s2 =	simm.s32 $0x0;
	s4 =	srdreg.scid;
	s1 =	stileid.u32  }
0x4: {  	s17 =	simm.s32 $0x40;
	s18 =	simm.s32 $0x80;
	s19 =	simm.s32 $0xC0  }
0x5: {  	s20 =	simm.s32 $0x100;
	s21 =	simm.s32 $0x140;
	s28 =	simm.s32 $0x2C0  }
0x6: {  	s29 =	simm.s32 $0x300;
	s30 =	simm.s32 $0x340;
	s31 =	simm.s32 $0x380  }
0x7: {  	[smem:$0x7FF] =	sst s2;
	s4 =	sand.u32 $0x1, s4;
	s6 =	sshll.u32 s1, $0x7  }
0x8: {  	s14 =	sadd.s32 $0x1A00, s3;
	s5 =	ssub.s32 $0x2, s4;
	s4 =	sshll.u32 s4, $0x3  }
0x9: {  	_ =	strace $0x80000047;
	s22 =	sshrl.u32 s5, $0x1;
	s7 =	sor.u32 s4, s6  }
0xa: {  	s15 =	ssub.s32 s5, s22;
	s23 =	sadd.s32 s0, s7;
	s8 =	sor.u32 $0x10, s7  }
0xb: {  	s9 =	sor.u32 $0x20, s7;
	s10 =	sor.u32 $0x30, s7;
	s11 =	sor.u32 $0x40, s7  }
0xc: {  	s12 =	sor.u32 $0x50, s7;
	s13 =	sor.u32 $0x60, s7;
	s16 =	sor.u32 $0x70, s7  }
0xd: {  	s7 =	sadd.s32 s14, s7;
	s22 =	simm.s32 $0x180;
	[dreg:$0x3] =	wrdreg s23  }
0xe: {  	s24 =	sadd.s32 s0, s8;
	s25 =	sadd.s32 s0, s9;
	s26 =	sadd.s32 s0, s10  }
0xf: {  	s3 =	sadd.s32 s0, s11;
	s4 =	sadd.s32 s0, s12;
	s5 =	sadd.s32 s0, s13  }
0x10: {  	s6 =	sadd.s32 s0, s16;
	s8 =	sadd.s32 s14, s8;
	s9 =	sadd.s32 s14, s9  }
0x11: {  	s10 =	sadd.s32 s14, s10;
	s11 =	sadd.s32 s14, s11;
	s12 =	sadd.s32 s14, s12  }
0x12: {  	s13 =	sadd.s32 s14, s13;
	s14 =	sadd.s32 s14, s16;
	[dreg:$0x4] =	wrdreg s24  }
0x13: {  	s15 =	smax.u32 s15, $0x1;
	s16 =	simm.s32 $0x1;
	[dreg:$0x5] =	wrdreg s25  }
0x14: {  	s23 =	simm.s32 $0x1C0;
	s0 =	simm.s32 $0x3C0;
	[dreg:$0x6] =	wrdreg s26  }
0x15: {  	v0 =	vimm.s32 $0x0;
	s24 =	simm.s32 $0x200;
	s25 =	simm.s32 $0x240;
	s26 =	simm.s32 $0x280  }
.LBB2_1:
0x16: {  	s1 =	rddreg [dreg:$0x3]  }
0x17: {  	[tilespmem:s2], [sflag:$0x1] =	stream.linear.gather [hbm4b:s1+s2], $0x40, $0x38;
	[tilespmem:$0x400] =	vst v63  }
0x18: {  	_ =	swait.ge [sflag:s16], $0x40  }
0x19: {  	[sflag:s16] =	ssyncset.done $0x0  }
0x1a: {  	s1 =	rddreg [dreg:$0x4];
	[sflag:s16] =	ssyncadd.s32 $0xFFFFFFC0  }
0x1b: {  	[tilespmem:s17], [sflag:$0x1] =	stream.linear.gather [hbm4b:s1+s2], $0x40, $0x38;
	[tilespmem:$0x400] =	vst v63  }
0x1c: {  	_ =	swait.ge [sflag:s16], $0x40  }
0x1d: {  	[sflag:s16] =	ssyncset.done $0x0  }
0x1e: {  	s1 =	rddreg [dreg:$0x5];
	[sflag:s16] =	ssyncadd.s32 $0xFFFFFFC0  }
0x1f: {  	[tilespmem:s18], [sflag:$0x1] =	stream.linear.gather [hbm4b:s1+s2], $0x40, $0x38;
	[tilespmem:$0x400] =	vst v63  }
0x20: {  	_ =	swait.ge [sflag:s16], $0x40  }
0x21: {  	[sflag:s16] =	ssyncset.done $0x0  }
0x22: {  	s1 =	rddreg [dreg:$0x6];
	[sflag:s16] =	ssyncadd.s32 $0xFFFFFFC0  }
0x23: {  	[tilespmem:s19], [sflag:$0x1] =	stream.linear.gather [hbm4b:s1+s2], $0x40, $0x38;
	[tilespmem:$0x400] =	vst v63  }
0x24: {  	_ =	swait.ge [sflag:s16], $0x40  }
0x25: {  	[sflag:s16] =	ssyncset.done $0x0  }
0x26: {  	[sflag:s16] =	ssyncadd.s32 $0xFFFFFFC0  }
0x27: {  	[tilespmem:s20], [sflag:$0x1] =	stream.linear.gather [hbm4b:s3+s2], $0x40, $0x38;
	[tilespmem:$0x400] =	vst v63  }
0x28: {  	_ =	swait.ge [sflag:s16], $0x40  }
0x29: {  	[sflag:s16] =	ssyncset.done $0x0  }
0x2a: {  	[sflag:s16] =	ssyncadd.s32 $0xFFFFFFC0  }
0x2b: {  	[tilespmem:s21], [sflag:$0x1] =	stream.linear.gather [hbm4b:s4+s2], $0x40, $0x38;
	[tilespmem:$0x400] =	vst v63  }
0x2c: {  	_ =	swait.ge [sflag:s16], $0x40  }
0x2d: {  	[sflag:s16] =	ssyncset.done $0x0  }
0x2e: {  	[sflag:s16] =	ssyncadd.s32 $0xFFFFFFC0  }
0x2f: {  	[tilespmem:s22], [sflag:$0x1] =	stream.linear.gather [hbm4b:s5+s2], $0x40, $0x38;
	[tilespmem:$0x400] =	vst v63  }
0x30: {  	_ =	swait.ge [sflag:s16], $0x40  }
0x31: {  	[sflag:s16] =	ssyncset.done $0x0  }
0x32: {  	[sflag:s16] =	ssyncadd.s32 $0xFFFFFFC0  }
0x33: {  	[tilespmem:s23], [sflag:$0x1] =	stream.linear.gather [hbm4b:s6+s2], $0x40, $0x38;
	[tilespmem:$0x400] =	vst v63  }
0x34: {  	_ =	swait.ge [sflag:s16], $0x40  }
0x35: {  	[sflag:s16] =	ssyncset.done $0x0  }
0x36: {  	[sflag:s16] =	ssyncadd.s32 $0xFFFFFFC0  }
0x37: {  	v1 =	vld [tilespmem:$0x0]  }
0x38: {  	v2 =	vld [tilespmem:$0x40]  }
0x39: {  	v3 =	vld [tilespmem:$0x80]  }
0x3a: {  	v4 =	vld [tilespmem:$0xC0]  }
0x3b: {  	v5 =	vld [tilespmem:$0x100]  }
0x3c: {  	v6 =	vld [tilespmem:$0x140]  }
0x3d: {  	v7 =	vld [tilespmem:$0x180];
	v8 =	vmax.f32 v1, v2  }
0x3e: {  	v9 =	vld [tilespmem:$0x1C0];
	v8 =	vmax.f32 v8, v3  }
0x3f: {  	v8 =	vmax.f32 v8, v4  }
0x40: {  	v8 =	vmax.f32 v8, v5  }
0x41: {  	v8 =	vmax.f32 v8, v6  }
0x42: {  	v8 =	vmax.f32 v8, v7  }
0x43: {  	v8 =	vmax.f32 v8, v9  }
0x44: {  	vm0 =	veq.f32 v9, v8  }
0x45: {  	vm15 =	veq.f32 v7, v8;
	v10 =	vsel vm0, $0x7, v0  }
0x46: {  	vm4 =	veq.f32 v6, v8;
	v10 =	vsel vm15, $0x6, v10  }
0x47: {  	vm5 =	veq.f32 v5, v8;
	v10 =	vsel vm4, $0x5, v10  }
0x48: {  	vm6 =	veq.f32 v4, v8;
	v10 =	vsel vm5, $0x4, v10  }
0x49: {  	vm7 =	veq.f32 v3, v8;
	v10 =	vsel vm6, $0x3, v10  }
0x4a: {  	vm8 =	veq.f32 v2, v8;
	v10 =	vsel vm7, $0x2, v10  }
0x4b: {  	vm1 =	vne.f32 v1, v8;
	v10 =	vsel vm8, $0x1, v10  }
0x4c: {  	v10 =	vnsel vm1, $0x0, v10  }
0x4d: {  	v12 =	vld [tilespmem:$0x10];
	vm15 =	veq.s32 v10, $0x0  }
0x4e: {  	v13 =	vld [tilespmem:$0x50];
	vm14 =	vmand vm1, vm8;
	v1 =	vsel vm15, $0xF149F2CA, v1  }
0x4f: {  	v14 =	vld [tilespmem:$0x90];
	v2 =	vsel vm14, $0xF149F2CA, v2;
	vm13 =	veq.s32 v10, $0x2;
	v11 =	vmax.f32 v1, $-1.000000020e+30  }
0x50: {  	v15 =	vld [tilespmem:$0xD0];
	vm8 =	veq.s32 v10, $0x3;
	v3 =	vsel vm13, $0xF149F2CA, v3;
	v11 =	vmax.f32 v11, v2  }
0x51: {  	v31 =	vld [tilespmem:$0x110];
	vm10 =	veq.s32 v10, $0x4;
	v4 =	vsel vm8, $0xF149F2CA, v4;
	v11 =	vmax.f32 v11, v3  }
0x52: {  	v16 =	vld [tilespmem:$0x150];
	vm11 =	veq.s32 v10, $0x5;
	v5 =	vsel vm10, $0xF149F2CA, v5;
	v11 =	vmax.f32 v11, v4  }
0x53: {  	v17 =	vld [tilespmem:$0x190];
	vm12 =	veq.s32 v10, $0x6;
	v6 =	vsel vm11, $0xF149F2CA, v6;
	v11 =	vmax.f32 v11, v5  }
0x54: {  	v19 =	vld [tilespmem:$0x1D0];
	vm4 =	veq.s32 v10, $0x7;
	v7 =	vsel vm12, $0xF149F2CA, v7;
	v11 =	vmax.f32 v11, v6  }
0x55: {  	v27 =	vld [tilespmem:$0x20];
	v18 =	vmax.f32 v12, v13;
	v9 =	vsel vm4, $0xF149F2CA, v9;
	v11 =	vmax.f32 v11, v7  }
0x56: {  	v28 =	vld [tilespmem:$0x60];
	v18 =	vmax.f32 v18, v14;
	v11 =	vmax.f32 v11, v9  }
0x57: {  	v18 =	vmax.f32 v18, v15;
	v8 =	vsub.f32 v11, v8  }
0x58: {  	v42 =	vimm.s32 $0x0;
	v18 =	vmax.f32 v18, v31  }
0x59: {  	v43 =	vimm.s32 $0x0;
	v18 =	vmax.f32 v18, v16;
	v8 =	vmul.f32 $1.442695020e+00, v8  }
0x5a: {  	v44 =	vimm.s32 $0x0;
	v57 =	vimm.s32 $0x0;
	v32 =	vmax.f32 v18, v17  }
0x5b: {  	v47 =	vmax.f32 v27, v28;
	(erf) = vpow2.f32 v8;
	v8 =	vmax.f32 v32, v19  }
0x5c: {  	vm1 =	veq.f32 v2, v11;
	vm9 =	veq.f32 v19, v8;
	vm5 =	veq.f32 v17, v8  }
0x5d: {  	v29 =	vld [tilespmem:$0xA0];
	vm6 =	veq.f32 v16, v8;
	vm7 =	veq.f32 v31, v8;
	v33 =	vsel vm9, $0x7, v0  }
0x5e: {  	vm0 =	veq.f32 v13, v8;
	vm3 =	vne.f32 v12, v8;
	v18 =	vsel vm5, $0x6, v33  }
0x5f: {  	v30 =	vld [tilespmem:$0xE0];
	vm9 =	veq.f32 v9, v11;
	vm5 =	veq.f32 v15, v8;
	v18 =	vsel vm6, $0x5, v18  }
0x60: {  	v35 =	vsel vm9, $0x7, v0;
	vm9 =	veq.f32 v6, v11;
	v34 =	vsel vm7, $0x4, v18  }
0x61: {  	vm6 =	veq.f32 v14, v8;
	vm7 =	veq.f32 v7, v11;
	v9 =	vsel vm5, $0x3, v34  }
0x62: {  	v37 =	vsel vm7, $0x6, v35;
	v35 =	vmax.f32 v47, v29;
	v36 =	vsel vm6, $0x2, v9  }
0x63: {  	v9 =	vsel vm9, $0x5, v37;
	vm9 =	vmand vm3, vm0;
	v7 =	vsel vm0, $0x1, v36  }
0x64: {  	v35 =	vmax.f32 v35, v30;
	v20 =	vsel vm9, $0xF149F2CA, v13;
	v38 =	vpop (erf);
	v7 =	vnsel vm3, $0x0, v7  }
0x65: {  	v39 =	vadd.f32 $1.000000000e+00, v38;
	vm5 =	veq.s32 v7, $0x0;
	vm7 =	veq.s32 v7, $0x2  }
0x66: {  	vm3 =	veq.s32 v7, $0x3;
	vm6 =	veq.s32 v7, $0x4;
	vm0 =	veq.s32 v7, $0x5  }
0x67: {  	v40 =	vsel vm5, $0xF149F2CA, v12;
	v21 =	vsel vm7, $0xF149F2CA, v14;
	v22 =	vsel vm3, $0xF149F2CA, v15  }
0x68: {  	v10 =	vsel vm0, $0xFFFFFFFF, v42;
	v16 =	vsel vm0, $0xF149F2CA, v16;
	vm0 =	veq.s32 v7, $0x6  }
0x69: {  	(erf) = vrcp.f32 v39;
	v41 =	vmax.f32 v40, $-1.000000020e+30;
	[tilespmem:$0x1FFA0] =	vst v10;
	v10 =	vsel vm0, $0xFFFFFFFF, v43  }
0x6a: {  	v17 =	vsel vm0, $0xF149F2CA, v17;
	vm0 =	veq.s32 v7, $0x7;
	v6 =	vmax.f32 v41, v20  }
0x6b: {  	v23 =	vsel vm6, $0xF149F2CA, v31;
	v31 =	vld [tilespmem:$0x120];
	v7 =	vsel vm0, $0xFFFFFFFF, v44;
	v6 =	vmax.f32 v6, v21  }
0x6c: {  	v32 =	vld [tilespmem:$0x160];
	v45 =	vsel vm0, $0xF149F2CA, v19;
	vm0 =	veq.f32 v5, v11;
	v6 =	vmax.f32 v6, v22  }
0x6d: {  	v33 =	vld [tilespmem:$0x1A0];
	v5 =	vsel vm0, $0x4, v9;
	vm0 =	veq.f32 v4, v11;
	v6 =	vmax.f32 v6, v23  }
0x6e: {  	v4 =	vsel vm0, $0x3, v5;
	vm0 =	veq.f32 v3, v11;
	v6 =	vmax.f32 v6, v16  }
0x6f: {  	v3 =	vsel vm0, $0x2, v4;
	vm0 =	vne.f32 v1, v11;
	v6 =	vmax.f32 v6, v17  }
0x70: {  	v35 =	vmax.f32 v35, v31;
	v2 =	vsel vm1, $0x1, v3;
	v19 =	vmax.f32 v6, v45  }
0x71: {  	v35 =	vmax.f32 v35, v32;
	v25 =	vnsel vm0, $0x0, v2;
	v46 =	vsub.f32 v19, v8  }
0x72: {  	vm0 =	vmand vm0, vm1;
	v50 =	vmax.f32 v35, v33;
	vm2 =	veq.s32 v25, $0x0;
	v24 =	vpop (erf)  }
0x73: {  	v3 =	vmul.f32 $1.442695020e+00, v46;
	v26 =	vsub.f32 $1.000000000e+00, v24;
	v1 =	vnsel vm15, $0x0, v24  }
0x74: {  	[tilespmem:$0x1FFC0] =	vst v7;
	v5 =	vnsel vm13, $0x0, v24;
	vm15 =	veq.s32 v25, $0x3;
	v7 =	vnsel vm8, $0x0, v24  }
0x75: {  	vm8 =	veq.s32 v25, $0x4;
	v9 =	vnsel vm10, $0x0, v24;
	vm10 =	veq.s32 v25, $0x5  }
0x76: {  	v11 =	vnsel vm11, $0x0, v24;
	v13 =	vnsel vm12, $0x0, v24;
	vm12 =	veq.s32 v25, $0x6  }
0x77: {  	v34 =	vld [tilespmem:$0x1E0];
	vm13 =	veq.f32 v45, v19;
	v15 =	vnsel vm4, $0x0, v24;
	vm4 =	veq.f32 v16, v19  }
0x78: {  	v48 =	vsel vm13, $0x7, v0;
	vm13 =	veq.f32 v22, v19;
	(erf) = vpow2.f32 v3  }
0x79: {  	v2 =	vnsel vm2, $0x0, v26;
	v3 =	vnsel vm14, $0x0, v24;
	v4 =	vnsel vm0, $0x0, v26  }
0x7a: {  	[tilespmem:$0x1FFB0] =	vst v10;
	vm14 =	veq.s32 v25, $0x2;
	v8 =	vnsel vm15, $0x0, v26;
	v10 =	vnsel vm8, $0x0, v26  }
0x7b: {  	v12 =	vnsel vm10, $0x0, v26;
	v14 =	vnsel vm12, $0x0, v26;
	vm15 =	veq.s32 v25, $0x7  }
0x7c: {  	v25 =	vmax.f32 v50, v34;
	vm10 =	veq.f32 v23, v19;
	v6 =	vnsel vm14, $0x0, v26  }
0x7d: {  	vm14 =	veq.f32 v17, v19;
	v16 =	vnsel vm15, $0x0, v26;
	vm8 =	veq.f32 v34, v25  }
0x7e: {  	vm11 =	veq.f32 v33, v25;
	vm12 =	veq.f32 v32, v25;
	v52 =	vsel vm8, $0x7, v0  }
0x7f: {  	vm15 =	veq.f32 v30, v25;
	v24 =	vsel vm14, $0x6, v48;
	v23 =	vsel vm11, $0x6, v52  }
0x80: {  	vm14 =	veq.f32 v31, v25;
	vm8 =	veq.f32 v29, v25;
	v53 =	vsel vm12, $0x5, v23  }
0x81: {  	v51 =	vsel vm4, $0x5, v24;
	vm4 =	veq.f32 v21, v19;
	v22 =	vsel vm14, $0x4, v53  }
0x82: {  	vm11 =	vne.f32 v27, v25;
	v17 =	vsel vm10, $0x4, v51;
	v54 =	vsel vm15, $0x3, v22  }
0x83: {  	vm10 =	veq.f32 v28, v25;
	v17 =	vsel vm13, $0x3, v17;
	v21 =	vsel vm8, $0x2, v54  }
0x84: {  	vm13 =	veq.f32 v20, v19;
	vm15 =	vmand vm11, vm10;
	v55 =	vsel vm10, $0x1, v21  }
0x85: {  	v17 =	vsel vm4, $0x2, v17;
	v24 =	vsel vm15, $0xF149F2CA, v28;
	v36 =	vpop (erf);
	v20 =	vnsel vm11, $0x0, v55  }
0x86: {  	v49 =	vadd.f32 $1.000000000e+00, v36;
	vm14 =	veq.s32 v20, $0x0;
	vm12 =	veq.s32 v20, $0x2  }
0x87: {  	vm11 =	veq.s32 v20, $0x3;
	vm10 =	veq.s32 v20, $0x4;
	vm4 =	veq.s32 v20, $0x5  }
0x88: {  	v22 =	vsel vm14, $0xF149F2CA, v27;
	v26 =	vsel vm12, $0xF149F2CA, v29;
	v27 =	vld [tilespmem:$0x30];
	v28 =	vsel vm11, $0xF149F2CA, v30  }
0x89: {  	v29 =	vld [tilespmem:$0x70];
	v30 =	vsel vm10, $0xF149F2CA, v31;
	v31 =	vsel vm4, $0xFFFFFFFF, v57;
	(erf) = vrcp.f32 v49  }
0x8a: {  	[tilespmem:$0x1FFD0] =	vst v31;
	v31 =	vld [tilespmem:$0xB0]  }
0x8b: {  	v58 =	vimm.s32 $0x0;
	v59 =	vld [tilespmem:$0xF0];
	v1 =	vadd.f32 v2, v1  }
0x8c: {  	v61 =	vimm.s32 $0x0;
	v60 =	vld [tilespmem:$0x130];
	vm0 =	vne.f32 v40, v19;
	v17 =	vsel vm13, $0x1, v17  }
0x8d: {  	v3 =	vadd.f32 v4, v3;
	v52 =	vld [tilespmem:$0x170];
	[tilespmem:$0x200] =	vst v1;
	v1 =	vadd.f32 v16, v15;
	v18 =	vnsel vm0, $0x0, v17  }
0x8e: {  	v38 =	vld [tilespmem:$0x1B0];
	vm0 =	vmand vm0, vm13;
	v56 =	vmax.f32 v22, $-1.000000020e+30;
	v39 =	vmax.f32 v27, v29  }
0x8f: {  	vm2 =	veq.s32 v18, $0x0;
	v23 =	vmax.f32 v56, v24;
	v39 =	vmax.f32 v39, v31  }
0x90: {  	vm8 =	veq.s32 v20, $0x7;
	v23 =	vmax.f32 v23, v26;
	v39 =	vmax.f32 v39, v59  }
0x91: {  	v32 =	vsel vm4, $0xF149F2CA, v32;
	v23 =	vmax.f32 v23, v28;
	v39 =	vmax.f32 v39, v60  }
0x92: {  	v63 =	vsel vm8, $0xF149F2CA, v34;
	v23 =	vmax.f32 v23, v30;
	v39 =	vmax.f32 v39, v52;
	v21 =	vpop (erf)  }
0x93: {  	v23 =	vmax.f32 v23, v32;
	v53 =	vmax.f32 v39, v38;
	v19 =	vsub.f32 $1.000000000e+00, v21  }
0x94: {  	v17 =	vnsel vm5, $0x0, v21;
	vm5 =	veq.s32 v20, $0x6;
	v20 =	vsel vm8, $0xFFFFFFFF, v61  }
0x95: {  	v49 =	vld [tilespmem:$0x1FFA0];
	v41 =	vnsel vm9, $0x0, v21;
	v43 =	vnsel vm7, $0x0, v21;
	vm8 =	veq.s32 v18, $0x3  }
0x96: {  	v55 =	vld [tilespmem:$0x1FFB0];
	v39 =	vnsel vm3, $0x0, v21;
	v46 =	vnsel vm6, $0x0, v21;
	v33 =	vsel vm5, $0xF149F2CA, v33  }
0x97: {  	vm9 =	veq.s32 v18, $0x4;
	v35 =	vsel vm5, $0xFFFFFFFF, v58;
	v62 =	vmax.f32 v23, v33  }
0x98: {  	v40 =	vld [tilespmem:$0x1F0];
	[tilespmem:$0x1FFF0] =	vst v20;
	vm5 =	veq.s32 v18, $0x2;
	v37 =	vnsel vm2, $0x0, v19;
	v20 =	vmax.f32 v62, v63  }
0x99: {  	v42 =	vnsel vm0, $0x0, v19;
	v44 =	vnsel vm5, $0x0, v19;
	v25 =	vsub.f32 v20, v25  }
0x9a: {  	v45 =	vnsel vm8, $0x0, v19;
	v47 =	vnsel vm9, $0x0, v19;
	vm5 =	vnez.u8 v49  }
0x9b: {  	vm8 =	vnez.u8 v55;
	v49 =	vnsel vm5, $0x0, v21;
	v25 =	vmul.f32 $1.442695020e+00, v25  }
0x9c: {  	[tilespmem:$0x240] =	vst v3;
	v62 =	vadd.f32 v6, v5;
	v3 =	vadd.f32 v37, v17;
	vm3 =	veq.f32 v63, v20  }
0x9d: {  	vm1 =	vne.f32 v22, v20;
	(erf) = vpow2.f32 v25;
	v25 =	vmax.f32 v53, v40  }
0x9e: {  	v63 =	vadd.f32 v8, v7;
	v56 =	vsel vm3, $0x7, v0;
	vm13 =	veq.f32 v40, v25  }
0x9f: {  	v53 =	vadd.f32 v42, v41;
	vm4 =	veq.f32 v38, v25;
	v48 =	vsel vm13, $0x7, v0  }
0xa0: {  	vm6 =	veq.f32 v52, v25;
	vm7 =	veq.f32 v60, v25;
	v48 =	vsel vm4, $0x6, v48  }
0xa1: {  	v50 =	vld [tilespmem:$0x1FFC0];
	vm9 =	veq.f32 v59, v25;
	vm13 =	veq.f32 v33, v20;
	v54 =	vsel vm6, $0x5, v48  }
0xa2: {  	v33 =	vsel vm13, $0x6, v56;
	v48 =	vnsel vm8, $0x0, v21;
	v23 =	vsel vm7, $0x4, v54  }
0xa3: {  	vm8 =	veq.f32 v32, v20;
	vm7 =	veq.f32 v31, v25;
	v23 =	vsel vm9, $0x3, v23  }
0xa4: {  	vm0 =	veq.f32 v29, v25;
	v33 =	vsel vm8, $0x5, v33;
	v23 =	vsel vm7, $0x2, v23  }
0xa5: {  	vm8 =	veq.f32 v30, v20;
	vm9 =	vne.f32 v27, v25;
	v23 =	vsel vm0, $0x1, v23  }
0xa6: {  	v33 =	vsel vm8, $0x4, v33;
	vm7 =	vnez.u8 v50;
	v23 =	vnsel vm9, $0x0, v23  }
0xa7: {  	v21 =	vnsel vm7, $0x0, v21;
	v57 =	vpop (erf);
	vm9 =	vmand vm9, vm0;
	vm13 =	veq.s32 v23, $0x0  }
0xa8: {  	v32 =	vadd.f32 $1.000000000e+00, v57;
	v29 =	vsel vm9, $0xF149F2CA, v29;
	v27 =	vsel vm13, $0xF149F2CA, v27  }
0xa9: {  	vm7 =	veq.s32 v23, $0x2;
	vm6 =	veq.s32 v23, $0x3;
	v58 =	vmax.f32 v27, $-1.000000020e+30  }
0xaa: {  	v31 =	vsel vm7, $0xF149F2CA, v31;
	(erf) = vrcp.f32 v32;
	v32 =	vmax.f32 v58, v29  }
0xab: {  	[tilespmem:$0x1FFE0] =	vst v35;
	vm5 =	veq.s32 v23, $0x4;
	v35 =	vsel vm6, $0xF149F2CA, v59;
	v32 =	vmax.f32 v32, v31  }
0xac: {  	vm4 =	veq.s32 v23, $0x5;
	v36 =	vsel vm5, $0xF149F2CA, v60;
	v32 =	vmax.f32 v32, v35  }
0xad: {  	vm2 =	veq.s32 v23, $0x6;
	v34 =	vsel vm4, $0xF149F2CA, v52;
	v32 =	vmax.f32 v32, v36  }
0xae: {  	vm3 =	veq.s32 v23, $0x7;
	v59 =	vmax.f32 v32, v34;
	v32 =	vsel vm2, $0xF149F2CA, v38  }
0xaf: {  	vm8 =	veq.f32 v28, v20;
	v30 =	vsel vm3, $0xF149F2CA, v40;
	v60 =	vmax.f32 v59, v32  }
0xb0: {  	v54 =	vadd.f32 v44, v43;
	v33 =	vsel vm8, $0x3, v33;
	v23 =	vmax.f32 v60, v30  }
0xb1: {  	vm8 =	veq.f32 v26, v20;
	v50 =	vadd.f32 v14, v13;
	v25 =	vsub.f32 v23, v25  }
0xb2: {  	v33 =	vsel vm8, $0x2, v33;
	vm8 =	veq.s32 v18, $0x7;
	vm0 =	veq.s32 v18, $0x5  }
0xb3: {  	v61 =	vnsel vm0, $0x0, v19;
	vm0 =	veq.s32 v18, $0x6;
	v25 =	vmul.f32 $1.442695020e+00, v25  }
0xb4: {  	v18 =	vnsel vm8, $0x0, v19;
	v26 =	vnsel vm0, $0x0, v19;
	vm0 =	veq.f32 v24, v20  }
0xb5: {  	v57 =	vadd.f32 v45, v39;
	v24 =	vsel vm0, $0x1, v33;
	v33 =	vpop (erf);
	(erf) = vpow2.f32 v25  }
0xb6: {  	[tilespmem:$0x2C0] =	vst v63;
	v28 =	vld [tilespmem:$0x1FFD0];
	v40 =	vadd.f32 v12, v11;
	vm0 =	vmand vm1, vm0;
	v63 =	vadd.f32 v26, v48  }
0xb7: {  	v26 =	vadd.f32 v18, v21;
	v20 =	vnsel vm1, $0x0, v24;
	v58 =	vadd.f32 v47, v46  }
0xb8: {  	vm8 =	veq.s32 v20, $0x0;
	v59 =	vadd.f32 v61, v49;
	v22 =	vsub.f32 $1.000000000e+00, v33  }
0xb9: {  	v19 =	vnsel vm14, $0x0, v33;
	v2 =	vnsel vm15, $0x0, v33;
	v51 =	vnsel vm12, $0x0, v33  }
0xba: {  	[tilespmem:$0x340] =	vst v40;
	v40 =	vld [tilespmem:$0x1FFE0];
	v55 =	vnsel vm11, $0x0, v33;
	vm11 =	veq.s32 v20, $0x3;
	v60 =	vnsel vm10, $0x0, v33  }
0xbb: {  	vm12 =	veq.s32 v20, $0x4;
	vm14 =	vnez.u8 v28;
	vm15 =	veq.s32 v20, $0x5  }
0xbc: {  	[tilespmem:$0x3C0] =	vst v1;
	vm10 =	veq.f32 v32, v23;
	v18 =	vnsel vm14, $0x0, v33;
	vm14 =	veq.s32 v20, $0x6  }
0xbd: {  	[tilespmem:$0x280] =	vst v62;
	v24 =	vnsel vm8, $0x0, v22;
	v25 =	vadd.f32 v10, v9;
	v38 =	vnsel vm0, $0x0, v22  }
0xbe: {  	[tilespmem:$0x210] =	vst v3;
	vm8 =	veq.s32 v20, $0x2;
	v56 =	vnsel vm11, $0x0, v22;
	v62 =	vnsel vm12, $0x0, v22;
	v61 =	vpop (erf)  }
0xbf: {  	[tilespmem:$0x250] =	vst v53;
	v1 =	vnsel vm15, $0x0, v22;
	vm11 =	vnez.u8 v40;
	v17 =	vadd.f32 $1.000000000e+00, v61  }
0xc0: {  	[tilespmem:$0x290] =	vst v54;
	vm12 =	veq.f32 v34, v23;
	v43 =	vnsel vm14, $0x0, v22;
	vm15 =	veq.f32 v36, v23  }
0xc1: {  	[tilespmem:$0x380] =	vst v50;
	v46 =	vld [tilespmem:$0x1FFF0];
	v52 =	vnsel vm8, $0x0, v22;
	vm8 =	veq.f32 v30, v23;
	(erf) = vrcp.f32 v17  }
0xc2: {  	[tilespmem:$0x2D0] =	vst v57;
	vm14 =	veq.f32 v29, v23;
	v3 =	vadd.f32 v24, v19;
	v37 =	vsel vm8, $0x7, v0  }
0xc3: {  	[tilespmem:$0x390] =	vst v63;
	v2 =	vadd.f32 v38, v2;
	v39 =	vadd.f32 v56, v55;
	v17 =	vsel vm10, $0x6, v37  }
0xc4: {  	[tilespmem:$0x3D0] =	vst v26;
	v10 =	vnsel vm11, $0x0, v33;
	v41 =	vadd.f32 v62, v60;
	v42 =	vsel vm12, $0x5, v17  }
0xc5: {  	[tilespmem:$0x310] =	vst v58;
	vm11 =	veq.f32 v31, v23;
	vm8 =	veq.f32 v35, v23;
	v45 =	vsel vm15, $0x4, v42  }
0xc6: {  	[tilespmem:$0x350] =	vst v59;
	v44 =	vadd.f32 v43, v10;
	vm10 =	vnez.u8 v46;
	v10 =	vsel vm8, $0x3, v45  }
0xc7: {  	[tilespmem:$0x300] =	vst v25;
	v8 =	vnsel vm10, $0x0, v33;
	vm12 =	veq.s32 v20, $0x7;
	v47 =	vsel vm11, $0x2, v10  }
0xc8: {  	[tilespmem:$0x220] =	vst v3;
	v3 =	vnsel vm12, $0x0, v22;
	vm15 =	vne.f32 v27, v23;
	v9 =	vsel vm14, $0x1, v47  }
0xc9: {  	v1 =	vadd.f32 v1, v18;
	[tilespmem:$0x260] =	vst v2;
	v2 =	vadd.f32 v3, v8;
	v3 =	vnsel vm15, $0x0, v9  }
0xca: {  	v38 =	vadd.f32 v52, v51;
	[tilespmem:$0x2E0] =	vst v39;
	vm0 =	vmand vm15, vm14;
	vm8 =	veq.s32 v3, $0x0;
	v48 =	vpop (erf)  }
0xcb: {  	[tilespmem:$0x320] =	vst v41;
	vm10 =	veq.s32 v3, $0x2;
	vm11 =	veq.s32 v3, $0x3;
	v49 =	vsub.f32 $1.000000000e+00, v48  }
0xcc: {  	[tilespmem:$0x360] =	vst v1;
	vm12 =	veq.s32 v3, $0x4;
	vm14 =	veq.s32 v3, $0x6;
	vm15 =	veq.s32 v3, $0x7  }
0xcd: {  	[tilespmem:$0x2A0] =	vst v38;
	v50 =	vnsel vm13, $0x0, v48;
	v52 =	vnsel vm9, $0x0, v48;
	v51 =	vnsel vm8, $0x0, v49  }
0xce: {  	[tilespmem:$0x3A0] =	vst v44;
	v1 =	vnsel vm7, $0x0, v48;
	v53 =	vnsel vm0, $0x0, v49;
	v4 =	vadd.f32 v51, v50  }
0xcf: {  	[tilespmem:$0x3E0] =	vst v2;
	v56 =	vnsel vm6, $0x0, v48;
	v55 =	vnsel vm10, $0x0, v49;
	v54 =	vadd.f32 v53, v52  }
0xd0: {  	v58 =	vnsel vm5, $0x0, v48;
	v57 =	vnsel vm11, $0x0, v49;
	v1 =	vadd.f32 v55, v1;
	[tilespmem:$0x230] =	vst v4  }
0xd1: {  	vm13 =	veq.s32 v3, $0x5;
	v59 =	vnsel vm12, $0x0, v49;
	v2 =	vadd.f32 v57, v56;
	[tilespmem:$0x270] =	vst v54  }
0xd2: {  	v60 =	vnsel vm4, $0x0, v48;
	v61 =	vnsel vm13, $0x0, v49;
	[tilespmem:$0x2B0] =	vst v1;
	v1 =	vadd.f32 v59, v58  }
0xd3: {  	v63 =	vnsel vm14, $0x0, v49;
	v62 =	vadd.f32 v61, v60;
	[tilespmem:$0x2F0] =	vst v2;
	v2 =	vnsel vm2, $0x0, v48  }
0xd4: {  	v3 =	vnsel vm15, $0x0, v49;
	[tilespmem:$0x330] =	vst v1;
	v1 =	vadd.f32 v63, v2;
	v2 =	vnsel vm3, $0x0, v48  }
0xd5: {  	[tilespmem:$0x370] =	vst v62;
	v2 =	vadd.f32 v3, v2  }
0xd6: {  	[tilespmem:$0x3B0] =	vst v1  }
0xd7: {  	[tilespmem:$0x3F0] =	vst v2  }
0xd8: {  	[hbm4b:s7+s2] =	stream.linear.scatter [tilespmem:s24], [sflag:$0x1], $0x40, $0x38;
	[tilespmem:$0x400] =	vst v63  }
0xd9: {  	_ =	swait.ge [sflag:s16], $0x40  }
0xda: {  	[sflag:s16] =	ssyncset.done $0x0  }
0xdb: {  	[sflag:s16] =	ssyncadd.s32 $0xFFFFFFC0  }
0xdc: {  	[hbm4b:s8+s2] =	stream.linear.scatter [tilespmem:s25], [sflag:$0x1], $0x40, $0x38;
	[tilespmem:$0x400] =	vst v63  }
0xdd: {  	_ =	swait.ge [sflag:s16], $0x40  }
0xde: {  	[sflag:s16] =	ssyncset.done $0x0  }
0xdf: {  	[sflag:s16] =	ssyncadd.s32 $0xFFFFFFC0  }
0xe0: {  	[hbm4b:s9+s2] =	stream.linear.scatter [tilespmem:s26], [sflag:$0x1], $0x40, $0x38;
	[tilespmem:$0x400] =	vst v63  }
0xe1: {  	_ =	swait.ge [sflag:s16], $0x40  }
0xe2: {  	[sflag:s16] =	ssyncset.done $0x0  }
0xe3: {  	[sflag:s16] =	ssyncadd.s32 $0xFFFFFFC0  }
0xe4: {  	[hbm4b:s10+s2] =	stream.linear.scatter [tilespmem:s28], [sflag:$0x1], $0x40, $0x38;
	[tilespmem:$0x400] =	vst v63  }
0xe5: {  	_ =	swait.ge [sflag:s16], $0x40  }
0xe6: {  	[sflag:s16] =	ssyncset.done $0x0  }
0xe7: {  	[sflag:s16] =	ssyncadd.s32 $0xFFFFFFC0  }
0xe8: {  	[hbm4b:s11+s2] =	stream.linear.scatter [tilespmem:s29], [sflag:$0x1], $0x40, $0x38;
	[tilespmem:$0x400] =	vst v63  }
0xe9: {  	_ =	swait.ge [sflag:s16], $0x40  }
0xea: {  	[sflag:s16] =	ssyncset.done $0x0  }
0xeb: {  	[sflag:s16] =	ssyncadd.s32 $0xFFFFFFC0  }
0xec: {  	[hbm4b:s12+s2] =	stream.linear.scatter [tilespmem:s30], [sflag:$0x1], $0x40, $0x38;
	[tilespmem:$0x400] =	vst v63  }
0xed: {  	_ =	swait.ge [sflag:s16], $0x40  }
0xee: {  	[sflag:s16] =	ssyncset.done $0x0  }
0xef: {  	[sflag:s16] =	ssyncadd.s32 $0xFFFFFFC0  }
0xf0: {  	[hbm4b:s13+s2] =	stream.linear.scatter [tilespmem:s31], [sflag:$0x1], $0x40, $0x38;
	[tilespmem:$0x400] =	vst v63  }
0xf1: {  	_ =	swait.ge [sflag:s16], $0x40  }
0xf2: {  	p0 =	sne.s32 s15, $0x1;
	[sflag:s16] =	ssyncset.done $0x0  }
.Ltmp0:
0xf3: {  	[sflag:s16] =	ssyncadd.s32 $0xFFFFFFC0;
	(pc) =	sbr.rel @p0 .LBB2_1-.Ltmp0, $4  }
0xf4: {  	[hbm4b:s14+s2] =	stream.linear.scatter [tilespmem:s0], [sflag:$0x1], $0x40, $0x38;
	[tilespmem:$0x400] =	vst v63  }
0xf5: {  	_ =	swait.ge [sflag:s16], $0x40  }
0xf6: {  	[sflag:s16] =	ssyncset.done $0x0  }
0xf7: {  	s15 =	sadd.s32 $0xFFFFFFFF, s15;
	[sflag:s16] =	ssyncadd.s32 $0xFFFFFFC0  }
0xf8: {  	_ =	sfence.sel $0x180000  }
0xf9: {  	[bflag:$0x0] =	sbarrier.arrive $0xFFFF  }
0xfa: {  	_ =	strace $0x90000047  }
0xfb: {  	s0 =	stileid.u32;
	[bflag:$0x2] =	sbarrier.arrive $0xFFFF  }
0xfc: {  	p0 =	sne.s32 s0, $0x0;
	s0 =	rddreg [dreg:$0x2]  }
0xfd: {  	s0 =	sadd.s32 @!p0 $0x100000, s0  }
0xfe: {  	[sflag:s0] =	ssyncadd.tile.s32 @!p0 $0x1;
	_ =	shalt  }
.Lfunc_end2:
_tile_overlayer_lowered:
.L_overlay_start_2:
0xff: {  	(tag) =	ssettag $0x2  }
0x100: {  	s0 =	rddreg [dreg:$0x0];
	s2 =	stileid.u32  }
0x101: {  	s1 =	rddreg [dreg:$0x1];
	p0 =	sne.s32 s2, $0x0  }
0x102: {  	s3 =	rddreg [dreg:$0x2];
	[bflag:$0x3] =	sbarrier.arrive $0xFFFF;
	s2 =	simm.s32 @!p0 $0x1C01  }
0x103: {  	[timem:s3], [sflag:s2] =	dma.local @!p0 [hbm:s0], s1  }
0x104: {  	s0 =	simm.s32 @!p0 $0x1  }
0x105: {  	_ =	swait.ge @!p0 [sflag:s0], s1  }
0x106: {  	s1 =	ssub.s32 @!p0 $0x0, s1;
	[sflag:s0] =	ssyncset.done @!p0 $0x0  }
0x107: {  	[sflag:s0] =	ssyncadd.s32 @!p0 s1  }
0x108: {  	[bflag:$0x3] =	sbarrier.arrive $0xFFFF  }
0x109: {  	_ =	shalt  }

</sc_bundles>
